<compile_context>
chip_gen: v7x
topology: tpu7x:2x2x1
jax: 0.10.2.dev20260603
libtpu: 0.0.44.dev20260713+nightly
codegen_flags: <defaults>
</compile_context>

<pallas_src>
import jax
import jax.numpy as jnp
from jax.experimental import pallas as pl

B = 16384
E_DIM = 256
NUM_VQ = 4
K = 8192
BETA = 0.2

ROWS = 256
NB = B // ROWS


def _argmin_body(a_ref, r_ref, cbt_ref, bsq_ref, idx_ref):
    r_bf = r_ref[...].astype(jnp.bfloat16)
    d = jax.lax.dot_general(
        r_bf, cbt_ref[...],
        dimension_numbers=(((1,), (0,)), ((), ())),
        preferred_element_type=jnp.float32,
    )
    dist = (a_ref[...] - 2.0 * d) + bsq_ref[...]
    idx = jnp.argmin(dist, axis=1).astype(jnp.int32)
    idx_ref[...] = idx[:, None]


def _tc_argmin(residual, cbt_bf, a_col, bsq_row):
    return pl.pallas_call(
        _argmin_body,
        grid=(NB,),
        in_specs=[
            pl.BlockSpec((ROWS, 1), lambda b: (b, 0)),
            pl.BlockSpec((ROWS, E_DIM), lambda b: (b, 0)),
            pl.BlockSpec((E_DIM, K), lambda b: (0, 0)),
            pl.BlockSpec((1, K), lambda b: (0, 0)),
        ],
        out_specs=pl.BlockSpec((ROWS, 1), lambda b: (b, 0)),
        out_shape=jax.ShapeDtypeStruct((B, 1), jnp.int32),
    )(a_col, residual, cbt_bf, bsq_row)


def kernel(input_vector, codebooks, code_to_emotion_map):
    cbt_bf = jnp.transpose(codebooks, (0, 2, 1)).astype(jnp.bfloat16)
    bsq = jnp.sum(codebooks ** 2, axis=2)

    residual = input_vector
    losses = []
    perplexities = []
    quantized_codes = []
    indices_list = []
    for s in range(NUM_VQ):
        a_col = jnp.sum(residual ** 2, axis=1, keepdims=True)
        idx = _tc_argmin(residual, cbt_bf[s], a_col, bsq[s][None, :])[:, 0]
        q = jnp.take(codebooks[s], idx, axis=0)
        quantized = residual + (q - residual)
        m = jnp.mean((residual - quantized) ** 2)
        losses.append(m + BETA * m)
        residual = residual - quantized
        counts = jnp.zeros((K,), jnp.float32).at[idx].add(1.0)
        e_mean = counts / B
        perplexities.append(jnp.exp(-jnp.sum(e_mean * jnp.log(e_mean + 1e-10))))
        quantized_codes.append(quantized)
        indices_list.append(idx)

    total_loss = losses[0]
    for l in losses[1:]:
        total_loss = total_loss + l
    final_quantized = jnp.concatenate(quantized_codes, axis=1)
    logits = jnp.take(code_to_emotion_map, indices_list[0], axis=0)
    return final_quantized, total_loss, logits, jnp.stack(perplexities)

# --- scband reference (transcript-rebuilt; emitter-appended) ---
"""Pipeline reference for scband-residual-vq2-9981503995964 (READ-ONLY COPY).

The authoritative reference and input builder live on the scoring server;
editing this copy changes nothing except your own understanding.
"""

import jax, jax.numpy as jnp
import numpy as np

B = 16384
E_DIM = 256
NUM_VQ = 4
K = 8192
BETA = 0.2


def setup_inputs(seed: int = 0) -> dict:
    key = jax.random.key(seed)
    k1, k2, k3 = jax.random.split(key, 3)
    input_vector = jax.random.normal(k1, (B, E_DIM), dtype=jnp.float32)
    # learned codebooks for each residual VQ stage (EMA-updated in torch, materialized here)
    codebooks = jax.random.normal(k2, (NUM_VQ, K, E_DIM), dtype=jnp.float32)
    # frozen code -> emotion map (torch: randint(0, 7, (codebook_size,)))
    code_to_emotion_map = jax.random.randint(k3, (K,), 0, 7)
    return {
        "input_vector": input_vector,
        "codebooks": codebooks,
        "code_to_emotion_map": code_to_emotion_map,
    }


def _vq_layer(residual, cb):
    # euclidean distance argmin quantization (VectorQuantize core)
    dist = (
        jnp.sum(residual ** 2, axis=1, keepdims=True)
        - 2.0 * residual @ cb.T
        + jnp.sum(cb ** 2, axis=1)[None, :]
    )
    indices = jnp.argmin(dist, axis=1)
    q_raw = jnp.take(cb, indices, axis=0)
    # straight-through estimator, as in vector-quantize-pytorch
    quantized = residual + jax.lax.stop_gradient(q_raw - residual)
    return quantized, indices


def reference(input_vector, codebooks, code_to_emotion_map):
    residual = input_vector
    vq_losses = []
    perplexities = []
    quantized_codes = []
    indices_list = []
    for i in range(NUM_VQ):
        quantized, indices = _vq_layer(residual, codebooks[i])
        vq_loss = jnp.mean((jax.lax.stop_gradient(residual) - quantized) ** 2) + BETA * jnp.mean(
            (residual - jax.lax.stop_gradient(quantized)) ** 2
        )
        vq_losses.append(vq_loss)
        residual = residual - jax.lax.stop_gradient(quantized)
        one_hot = jax.nn.one_hot(indices, K, dtype=jnp.float32)
        e_mean = jnp.mean(one_hot, axis=0)
        perplexity = jnp.exp(-jnp.sum(e_mean * jnp.log(e_mean + 1e-10)))
        perplexities.append(jax.lax.stop_gradient(perplexity))
        quantized_codes.append(quantized)
        indices_list.append(indices)
    total_vq_loss = sum(vq_losses)
    final_quantized = jnp.concatenate(quantized_codes, axis=1)
    logits = jnp.take(code_to_emotion_map, indices_list[0], axis=0)
    return final_quantized, total_vq_loss, logits, jnp.stack(perplexities)

if __name__ == "__main__":
    import jax
    _d = setup_inputs()
    print(jax.jit(kernel)(*tuple(_d.values())))

</pallas_src>

<mosaic_0001>
module attributes {stable_mosaic.version = 14 : i64} {
  func.func @_argmin_body(%arg0: i32, %arg1: memref<256x1xf32, #tpu.memory_space<vmem>>, %arg2: memref<256x256xf32, #tpu.memory_space<vmem>>, %arg3: memref<256x8192xbf16, #tpu.memory_space<vmem>>, %arg4: memref<1x8192xf32, #tpu.memory_space<vmem>>, %arg5: memref<256x1xi32, #tpu.memory_space<vmem>>) attributes {dimension_semantics = [#tpu.dimension_semantics<arbitrary>], iteration_bounds = array<i64: 64>, scalar_prefetch = 0 : i64, scratch_operands = 0 : i64, tpu.core_type = #tpu.core_type<tc>, window_params = [{transform_indices = @transform_0, window_bounds = array<i64: 256, 1>}, {transform_indices = @transform_1, window_bounds = array<i64: 256, 256>}, {pipeline_mode = #tpu.pipeline_mode<synchronous>, transform_indices = @transform_2, window_bounds = array<i64: 256, 8192>}, {pipeline_mode = #tpu.pipeline_mode<synchronous>, transform_indices = @transform_3, window_bounds = array<i64: 1, 8192>}, {transform_indices = @transform_4, window_bounds = array<i64: 256, 1>}]} {
    %get3A = arith.constant 0 : index
    %get3A_0 = arith.constant 0 : index
    %get3A_1 = vector.load %arg2[%get3A, %get3A_0] : memref<256x256xf32, #tpu.memory_space<vmem>>, vector<256x256xf32>
    %convert_element_type3A = arith.truncf %get3A_1 : vector<256x256xf32> to vector<256x256xbf16>
    %get3A_2 = arith.constant 0 : index
    %get3A_3 = arith.constant 0 : index
    %get3A_4 = vector.load %arg3[%get3A_2, %get3A_3] : memref<256x8192xbf16, #tpu.memory_space<vmem>>, vector<256x8192xbf16>
    %dot_general3A = arith.constant dense<0.000000e+00> : vector<256x8192xf32>
    %dot_general3A_5 = tpu.matmul %convert_element_type3A, %get3A_4, %dot_general3A {dimension_numbers = #tpu.dot_dimension_numbers<[1], [0], [0], [1], [0, 0, 1, 1], [], []>, transpose_lhs_hint = false} : vector<256x256xbf16>, vector<256x8192xbf16>, vector<256x8192xf32> -> vector<256x8192xf32>
    %get3A_6 = arith.constant 0 : index
    %get3A_7 = arith.constant 0 : index
    %get3A_8 = vector.load %arg1[%get3A_6, %get3A_7] : memref<256x1xf32, #tpu.memory_space<vmem>>, vector<256x1xf32>
    %mul3A = arith.constant 2.000000e+00 : f32
    %mul3A_9 = vector.broadcast %mul3A : f32 to vector<256x8192xf32>
    %mul3A_10 = arith.mulf %mul3A_9, %dot_general3A_5 : vector<256x8192xf32>
    %sub3A = vector.broadcast %get3A_8 : vector<256x1xf32> to vector<256x8192xf32>
    %sub3A_11 = arith.subf %sub3A, %mul3A_10 : vector<256x8192xf32>
    %get3A_12 = arith.constant 0 : index
    %get3A_13 = arith.constant 0 : index
    %get3A_14 = vector.load %arg4[%get3A_12, %get3A_13] : memref<1x8192xf32, #tpu.memory_space<vmem>>, vector<1x8192xf32>
    %add3A = vector.broadcast %get3A_14 : vector<1x8192xf32> to vector<256x8192xf32>
    %add3A_15 = arith.addf %sub3A_11, %add3A : vector<256x8192xf32>
    %argmin3A = tpu.reduce_index %add3A_15 {axis = 1 : i32, kind = #tpu.reduction_kind<arg_min>} : vector<256x8192xf32> -> vector<256xi32>
    %broadcast_in_dim3A = vector.shape_cast %argmin3A : vector<256xi32> to vector<256x1xi32>
    %swap3A = arith.constant 0 : index
    %swap3A_16 = arith.constant 0 : index
    %swap3A_17 = vector.load %arg5[%swap3A, %swap3A_16] : memref<256x1xi32, #tpu.memory_space<vmem>>, vector<256x1xi32>
    tpu.vector_store %arg5[%swap3A, %swap3A_16], %broadcast_in_dim3A {strides = array<i32>} : memref<256x1xi32, #tpu.memory_space<vmem>>, vector<256x1xi32>,
    return
  }
  func.func @transform_0(%arg0: i32) -> (i32, i32) {
    %c0_i32 = arith.constant 0 : i32
    %c0_i32_0 = arith.constant 0 : i32
    return %arg0, %c0_i32 : i32, i32
  }
  func.func @transform_1(%arg0: i32) -> (i32, i32) {
    %c0_i32 = arith.constant 0 : i32
    %c0_i32_0 = arith.constant 0 : i32
    return %arg0, %c0_i32 : i32, i32
  }
  func.func @transform_2(%arg0: i32) -> (i32, i32) {
    %c0_i32 = arith.constant 0 : i32
    %c0_i32_0 = arith.constant 0 : i32
    %c0_i32_1 = arith.constant 0 : i32
    return %c0_i32, %c0_i32_0 : i32, i32
  }
  func.func @transform_3(%arg0: i32) -> (i32, i32) {
    %c0_i32 = arith.constant 0 : i32
    %c0_i32_0 = arith.constant 0 : i32
    %c0_i32_1 = arith.constant 0 : i32
    return %c0_i32, %c0_i32_0 : i32, i32
  }
  func.func @transform_4(%arg0: i32) -> (i32, i32) {
    %c0_i32 = arith.constant 0 : i32
    %c0_i32_0 = arith.constant 0 : i32
    return %arg0, %c0_i32 : i32, i32
  }
}

</mosaic_0001>

<sc_bundles>
// kernel: scatter_offload_async_start.1
scs
__scs_entry_jumppad:
0x0: {  	(pc) =	sbr.rel $0x88, $3  }
0x1: {  	(tag) =	ssettag $0x0;
	lr =	simm.s32 $0x1  }
0x2: {  	[smem:$0x3F9E] =	sst lr;
	_ =	strace $0xD0000000  }
0x3: {  	_ = 	snop  }
0x4: {  	_ = 	snop  }
0x5: {  	_ = 	snop  }
0x6: {  	_ = 	snop  }
0x7: {  	_ = 	snop  }
__scs_overlays_trampoline_lowered:
0x8: {  	[smem:$0x3FAD] =	sst s0  }
0x9: {  	[smem:$0x3FAE] =	sst s1  }
0xa: {  	[smem:$0x3FAF] =	sst s2  }
0xb: {  	[smem:$0x3FB0] =	sst s3  }
0xc: {  	[smem:$0x3FB1] =	sst s4  }
0xd: {  	[smem:$0x3FB2] =	sst s5  }
0xe: {  	[smem:$0x3FB3] =	sst s6  }
0xf: {  	[smem:$0x3FB4] =	sst s7  }
0x10: {  	[smem:$0x3FB5] =	sst s8  }
0x11: {  	[smem:$0x3FB6] =	sst s9;
	s0 =	simm.s32 @!p0 $0x0  }
0x12: {  	s1 =	sld [smem:$0x3F9C];
	s0 =	simm.s32 @p0 $0x1  }
0x13: {  	[smem:$0x3FB7] =	sst s0;
	s0 =	simm.s32 @!p1 $0x0  }
0x14: {  	s2 =	sld [smem:$0x3F9B];
	s0 =	simm.s32 @p1 $0x1  }
0x15: {  	[smem:$0x3FB8] =	sst s0;
	s0 =	simm.s32 @!p2 $0x0  }
0x16: {  	s3 =	sld [smem:$0x3FDB];
	s0 =	simm.s32 @p2 $0x1  }
0x17: {  	s4 =	simm.s32 $0x1BF5;
	[smem:$0x3FBA] =	sst s0  }
0x18: {  	s0 =	sld [smem:$0x3F9D];
	_ =	swait.ge [sflag:s4], $0x0  }
0x19: {  	s7 =	sld [smem:$0x3F9E]  }
0x1a: {  	s8 =	sadd.s32 $0xFFFFE003, lr  }
0x1b: {  	s9 =	sadd.s32 $0xFFFFFEF7, lr;
	s5 =	simm.s32 $0xFFFFFFFF;
	p2 =	slt.u32 s8, $0xFFFFF086  }
0x1c: {  	p1 =	slt.u32 s9, $0xF7A;
	s5 =	simm.s32 @!p2 $0x0  }
0x1d: {  	s5 =	simm.s32 @p1 $0x1;
	p0 =	seq.s32 s7, s2  }
0x1e: {  	s7 =	smul.u32 @!p0 $0xF7A, s2;
	p2 =	seq.s32 @!p0 s5, $0x0  }
0x1f: {  	s9 =	smul.u32 $0xF7A, s1;
	s8 =	simm.s32 @!p0 $0x1BF5;
	p2 =	por !p2, p0  }
0x20: {  	[sflag:s8] =	ssyncset.s32 @!p0 $0xFFFFF086;
	s6 =	sadd.s32 @!p0 s3, s7;
	s7 =	simm.s32 @!p0 $0x108  }
0x21: {  	s3 =	sadd.s32 s3, s9;
	s6 =	sadd.s32 @!p0 $0x88, s6;
	s7 =	simm.s32 @p2 $0x1082  }
0x22: {  	[simem:s7], [sflag:s8] =	dma.local @!p0 [hbm:s6], $0xF7A  }
0x23: {  	s9 =	sor.u32 $0xD0000000, s2;
	s6 =	simm.s32 $0x108;
	_ =	swait.ge @!p0 [sflag:s8], $0x0  }
0x24: {  	s3 =	sadd.s32 $0x88, s3;
	s6 =	simm.s32 @!p1 $0x1082;
	[sflag:s4] =	ssyncset.s32 $0xFFFFF086  }
0x25: {  	[simem:s6], [sflag:s4] =	dma.local [hbm:s3], $0xF7A  }
0x26: {  	[smem:$0x3F9E] =	sst s1;
	(tag) =	ssettag s2;
	_ =	strace s9  }
0x27: {  	s1 =	sld [smem:$0x3FAE]  }
0x28: {  	s2 =	sld [smem:$0x3FAF]  }
0x29: {  	s4 =	sld [smem:$0x3FB1]  }
0x2a: {  	p0 =	seq.s32 s5, $0x0;
	s5 =	sld [smem:$0x3FB2]  }
0x2b: {  	s6 =	sld [smem:$0x3FB3]  }
0x2c: {  	s7 =	sld [smem:$0x3FB4]  }
0x2d: {  	s3 =	simm.s32 $0x108;
	s8 =	sld [smem:$0x3FB5]  }
0x2e: {  	s3 =	simm.s32 @!p0 $0x1082;
	s9 =	sld [smem:$0x3FB6]  }
0x2f: {  	lr =	sadd.s32 s0, s3;
	s0 =	sld [smem:$0x3FAD]  }
0x30: {  	s3 =	sld [smem:$0x3FB0]  }
0x31: {  	[smem:$0x3FB9] =	sst s10  }
0x32: {  	s10 =	sld [smem:$0x3FB7];
	_ =	sdelay $0x3  }
0x33: {  	p0 =	seq.s32 s10, $0x1;
	s10 =	sld [smem:$0x3FB9];
	_ =	sdelay $0x3  }
0x34: {  	[smem:$0x3FB9] =	sst s10  }
0x35: {  	s10 =	sld [smem:$0x3FB8];
	_ =	sdelay $0x3  }
0x36: {  	p1 =	seq.s32 s10, $0x1;
	s10 =	sld [smem:$0x3FB9];
	_ =	sdelay $0x3  }
0x37: {  	[smem:$0x3FB9] =	sst s10  }
0x38: {  	s10 =	sld [smem:$0x3FBA]  }
0x39: {  	_ = 	snop;
	(pc) =	sbr.ind lr, $3  }
0x3a: {  	_ = 	snop  }
0x3b: {  	_ = 	snop  }
0x3c: {  	p2 =	seq.s32 s10, $0x1;
	s10 =	sld [smem:$0x3FB9]  }
0x3d: {  	_ =	shalt  }
0x3e: {  	_ =	shalt  }
0x3f: {  	_ =	shalt  }
0x40: {  	_ =	shalt  }
0x41: {  	_ =	shalt  }
0x42: {  	_ =	shalt  }
0x43: {  	_ =	shalt  }
0x44: {  	_ =	shalt  }
0x45: {  	_ =	shalt  }
0x46: {  	_ =	shalt  }
0x47: {  	_ =	shalt  }
0x48: {  	_ =	shalt  }
0x49: {  	_ =	shalt  }
0x4a: {  	_ =	shalt  }
0x4b: {  	_ =	shalt  }
0x4c: {  	_ =	shalt  }
0x4d: {  	_ =	shalt  }
0x4e: {  	_ =	shalt  }
0x4f: {  	_ =	shalt  }
0x50: {  	_ =	shalt  }
0x51: {  	_ =	shalt  }
0x52: {  	_ =	shalt  }
0x53: {  	_ =	shalt  }
0x54: {  	_ =	shalt  }
0x55: {  	_ =	shalt  }
0x56: {  	_ =	shalt  }
0x57: {  	_ =	shalt  }
0x58: {  	_ =	shalt  }
0x59: {  	_ =	shalt  }
0x5a: {  	_ =	shalt  }
0x5b: {  	_ =	shalt  }
0x5c: {  	_ =	shalt  }
0x5d: {  	_ =	shalt  }
0x5e: {  	_ =	shalt  }
0x5f: {  	_ =	shalt  }
0x60: {  	_ =	shalt  }
0x61: {  	_ =	shalt  }
0x62: {  	_ =	shalt  }
0x63: {  	_ =	shalt  }
0x64: {  	_ =	shalt  }
0x65: {  	_ =	shalt  }
0x66: {  	_ =	shalt  }
0x67: {  	_ =	shalt  }
0x68: {  	_ =	shalt  }
0x69: {  	_ =	shalt  }
0x6a: {  	_ =	shalt  }
0x6b: {  	_ =	shalt  }
0x6c: {  	_ =	shalt  }
0x6d: {  	_ =	shalt  }
0x6e: {  	_ =	shalt  }
0x6f: {  	_ =	shalt  }
0x70: {  	_ =	shalt  }
0x71: {  	_ =	shalt  }
0x72: {  	_ =	shalt  }
0x73: {  	_ =	shalt  }
0x74: {  	_ =	shalt  }
0x75: {  	_ =	shalt  }
0x76: {  	_ =	shalt  }
0x77: {  	_ =	shalt  }
0x78: {  	_ =	shalt  }
0x79: {  	_ =	shalt  }
0x7a: {  	_ =	shalt  }
0x7b: {  	_ =	shalt  }
0x7c: {  	_ =	shalt  }
0x7d: {  	_ =	shalt  }
0x7e: {  	_ =	shalt  }
0x7f: {  	_ =	shalt  }
0x80: {  	_ =	shalt  }
0x81: {  	_ =	shalt  }
0x82: {  	_ =	shalt  }
0x83: {  	_ =	shalt  }
0x84: {  	_ =	shalt  }
0x85: {  	_ =	shalt  }
0x86: {  	_ =	shalt  }
0x87: {  	_ =	shalt  }
.Lfunc_end0:
.L_simem_size_0:
called_computation.1_lowered:
.L_overlay_start_0:
0x88: {  	s0 =	sld [smem:$0x3FD9]  }
0x89: {  	s1 =	sld [smem:$0x3FFE];
	_ =	sdelay $0x3  }
0x8a: {  	s0 =	sadd.s32 s1, s0  }
0x8b: {  	[smem:$0x3FC5] =	sst s0  }
0x8c: {  	_ = 	snop  }
0x8d: {  	(tm) =	ssettm $0x1  }
0x8e: {  	s14 =	sld [smem:$0x3FFB];
	_ =	sdelay $0x3  }
0x8f: {  	_ =	strace s14  }
0x90: {  	s0 =	sld [smem:$0x3FFC];
	_ =	sdelay $0x3  }
0x91: {  	_ =	strace s0  }
0x92: {  	s0 =	sld [smem:$0x3FFD];
	_ =	sdelay $0x3  }
0x93: {  	_ =	strace s0  }
0x94: {  	_ =	strace $0x8FFFFFFF  }
0x95: {  	s15 =	sld [smem:$0x3FDB];
	_ =	sdelay $0x1  }
0x96: {  	s16 =	simm.s32 $_scs_section_size  }
0x97: {  	s2 =	simm.s32 $_size__tile_overlayer_lowered;
	s3 =	simm.s32 $_tile_overlayer_lowered  }
0x98: {  	s4 =	simm.s32 $0x1BFF;
	s17 =	sshll.u32 s3, $0x1;
	s1 =	sadd.s32 s16, s15  }
0x99: {  	s18 =	simm.s32 $0x0;
	s2 =	sshll.u32 s2, $0x1;
	s3 =	sadd.s32 s17, s1  }
0x9a: {  	[timem:s18], [sflag:s4] =	dma.local [hbm:s3], s2  }
0x9b: {  	_ =	swait.ge [sflag:s4], s2  }
0x9c: {  	s2 =	ssub.s32 $0x0, s2;
	[sflag:s4] =	ssyncset.done $0x0  }
0x9d: {  	[sflag:s4] =	ssyncadd.s32 s2;
	_ =	sdelay $0x1  }
0x9e: {  	s19 =	simm.s32 $0x1B8B  }
0x9f: {  	_ =	swait.ge [sflag:s19], $0x1  }
0xa0: {  	[sflag:s19] =	ssyncset.done $0x0  }
0xa1: {  	s21 =	simm.s32 $0x1B8E;
	s20 =	sld [smem:$0x3FFE];
	[sflag:s19] =	ssyncadd.s32 $0xFFFFFFFF  }
0xa2: {  	s22 =	simm.s32 $execute0_lowered;
	[smem:$0x3FD2] =	sst s21  }
0xa3: {  	s3 =	sshll.u32 s22, $0x1;
	_ =	strace $0x8000004C;
	[dreg:$0x1] =	wrdreg $0xFFFFFFFF  }
0xa4: {  	s23 =	simm.s32 $_size_execute0_lowered;
	s3 =	sadd.s32 s1, s3;
	[dreg:$0x0] =	wrdreg $0x0  }
0xa5: {  	s4 =	sshll.u32 s23, $0x1;
	[dreg:$0x2] =	wrdreg s3  }
0xa6: {  	[dreg:$0x3] =	wrdreg s4  }
0xa7: {  	[dreg:$0x4] =	wrdreg $0xC0  }
0xa8: {  	s24 =	simm.s32 $execute1_lowered;
	_ =	task [dreg:s18], $0x5FFFF  }
0xa9: {  	s3 =	sshll.u32 s24, $0x1;
	[dreg:$0x1] =	wrdreg $0xFFFFFFFF  }
0xaa: {  	s1 =	sadd.s32 s1, s3;
	[dreg:$0x0] =	wrdreg $0x60  }
0xab: {  	[dreg:$0x2] =	wrdreg s1  }
0xac: {  	[dreg:$0x3] =	wrdreg s20  }
0xad: {  	[dreg:$0x4] =	wrdreg $0x9  }
0xae: {  	_ =	task.clear_ibuf [dreg:s18], $0x5FFFF;
	_ =	strace $0x9000004C  }
0xaf: {  	s25 =	simm.s32 $0x9;
	_ =	strace $0x8000004E  }
0xb0: {  	_ =	swait.ge [sflag:s25], $0x1  }
0xb1: {  	[sflag:s25] =	ssyncadd.s32 $0xFFFFFFFF  }
0xb2: {  	_ =	strace $0x9000004E  }
0xb3: {  	_ =	strace $0x8000004F;
	[dreg:$0x1] =	wrdreg $0xFFFFFFFF  }
0xb4: {  	[dreg:$0x0] =	wrdreg $0x2030  }
0xb5: {  	[dreg:$0x2] =	wrdreg s20  }
0xb6: {  	[dreg:$0x3] =	wrdreg $0xA  }
0xb7: {  	_ =	task.clear_ibuf [dreg:s18], $0x4FFFF;
	_ =	strace $0x9000004F  }
0xb8: {  	s26 =	simm.s32 $0xA;
	_ =	strace $0x80000051  }
0xb9: {  	_ =	swait.ge [sflag:s26], $0x1  }
0xba: {  	[sflag:s26] =	ssyncadd.s32 $0xFFFFFFFF  }
0xbb: {  	_ =	strace $0x90000051  }
0xbc: {  	_ =	sfence  }
0xbd: {  	s28 =	sld [smem:$0x0];
	_ =	sdelay $0x1  }
0xbe: {  	s29 =	srdreg.scid  }
0xbf: {  	s30 =	sshll.u32 s29, $0xD;
	s31 =	sshrl.u32 s29, $0x2  }
0xc0: {  	s2 =	sand.u32 $0x1, s29;
	s3 =	sand.u32 $0x4000, s30;
	s1 =	sadd.s32 s31, s28  }
0xc1: {  	s2 =	sor.u32 s3, s2;
	s1 =	sshll.u32 s1, $0x11  }
0xc2: {  	s1 =	sor.u32 s1, s2  }
0xc3: {  	s1 =	sadd.s32 $0x8F2B, s1  }
0xc4: {  	[sflag:s1] =	ssyncadd.remote.s32 $0x1  }
0xc5: {  	_ =	sfence.sel $0xFFFF  }
0xc6: {  	[dreg:$0x0] =	wrdreg $0xFFFFFFFF;
	(pc) =	sbr.abs _section_cstart, $3  }
0xc7: {  	[dreg:$0x1] =	wrdreg $0xFFFFFFFF  }
0xc8: {  	_ =	task.clear_ibuf [dreg:s18], $0x2FFFF;
	_ =	strace $0x9FFFFFFF  }
0xc9: {  	(tm) =	ssettm $0x7FFFFFFF  }
tec
execute0_lowered:
.L_overlay_start_1:
0x0: {  	(tag) =	ssettag $0x1  }
0x1: {  	s2 =	rddreg [dreg:$0x0]  }
0x2: {  	s4 =	rddreg [dreg:$0x1]  }
0x3: {  	s0 =	rddreg [dreg:$0x2]  }
0x4: {  	s3 =	stileid.u32;
	[bflag:$0x3] =	sbarrier.arrive $0xFFFF;
	s1 =	simm.s32 $_size_execute1_lowered  }
0x5: {  	s8 =	simm.s32 $0x2;
	s9 =	simm.s32 $0x0;
	p0 =	sne.s32 s3, $0x0  }
0x6: {  	s1 =	sshll.u32 s1, $0x1;
	s5 =	simm.s32 @!p0 $0x1C3F;
	s6 =	simm.s32 @!p0 $0x4060  }
0x7: {  	[timem:s6], [sflag:s5] =	dma.local @!p0 [hbm:s2], s1  }
0x8: {  	s11 =	simm.s32 $0x0;
	s10 =	simm.s32 $0x0;
	s2 =	sshll.u32 s3, $0x9  }
0x9: {  	s3 =	sshll.u32 s3, $0x6;
	_ =	strace $0x8000004D;
	s30 =	ssub.s32 $0x2000, s2  }
.Ltmp0:
0xa: {  	s31 =	sadd.s32 s3, s4;
	s7 =	sand.u32 $0x1E00, s30;
	(pc) =	sbr.rel .LBB2_1-.Ltmp0, $4  }
0xb: {  	s3 =	simm.s32 $0x1;
	p1 =	sne.s32 s7, $0x0;
	s7 =	simm.s32 $0x1  }
0xc: {  	s4 =	sadd.s32 $0x4800, s4;
	s5 =	sshrl.u32 s30, $0xD;
	s7 =	simm.s32 @!p1 $0x0  }
0xd: {  	[sflag:s3] =	ssyncpa.u1 $0x0;
	s6 =	sadd.s32 $0x2800, s31;
	s5 =	sadd.s32 s7, s5  }
0xe: {  	[sflag:s8] =	ssyncpa.u1 $0x0;
	s8 =	simm.s32 $0x0;
	s7 =	sadd.s32 $0x1, s5  }
.LBB2_3:
0xf: {  	p2 =	sne.s32 s10, s7  }
.Ltmp1:
0x10: {  	p1 =	slt.u32 s10, $0x2;
	(pc) =	sbr.rel @!p2 .LBB2_4-.Ltmp1, $4  }
0x11: {  	s11 =	simm.s32 @!p1 $0x2  }
0x12: {  	_ =	swait.ge @!p1 [sflag:s11], $0x200  }
0x13: {  	s9 =	sadd.s32 $0x200, s9;
	[sflag:s11] =	ssyncset.done @!p1 $0x0  }
0x14: {  	s10 =	sadd.s32 $0x1, s10;
	[sflag:s11] =	ssyncadd.s32 @!p1 $0xFFFFFE00;
	s11 =	smov.u32 s2  }
.LBB2_1:
0x15: {  	p1 =	sge.u32 s10, s5  }
0x16: {  	s12 =	sxor.u32 @!p1 $0xFFFFFFFF, s9  }
0x17: {  	s31 =	sadd.s32 $0xFFFFFFFF, s10;
	s13 =	simm.s32 @!p1 $0x0;
	s12 =	sand.u32 @!p1 $0x200, s12  }
0x18: {  	[tilespmem:s12], [sflag:$0x1] =	stream.linear.gather @!p1 [hbm4b:s6+s13], $0x200, $0x38;
	[tilespmem:$0x800] =	vst v63  }
0x19: {  	p1 =	sge.u32 s31, s5  }
.Ltmp2:
0x1a: {  	_ = 	snop;
	(pc) =	sbr.rel @p1 .LBB2_3-.Ltmp2, $1  }
0x1b: {  	_ =	sdelay $0x3  }
0x1c: {  	_ =	swait.ge [sflag:s3], $0x200  }
0x1d: {  	[sflag:s3] =	ssyncset.done $0x0  }
0x1e: {  	s12 =	sand.u32 $0x200, s9;
	[sflag:s3] =	ssyncadd.s32 $0xFFFFFE00  }
0x1f: {  	v0 =	vld [tilespmem:s12+$0x0]  }
0x20: {  	v1 =	vld [tilespmem:s12+$0x10]  }
0x21: {  	v2 =	vld [tilespmem:s12+$0x20]  }
0x22: {  	v3 =	vld [tilespmem:s12+$0x30]  }
0x23: {  	v4 =	vld [tilespmem:s12+$0x40]  }
0x24: {  	v37 =	vld [tilespmem:s12+$0x50];
	[tilespmem:s12+$0x400] =	vst v0  }
0x25: {  	v38 =	vld [tilespmem:s12+$0x60];
	[tilespmem:s12+$0x410] =	vst v1  }
0x26: {  	v39 =	vld [tilespmem:s12+$0x70];
	[tilespmem:s12+$0x420] =	vst v2  }
0x27: {  	v40 =	vld [tilespmem:s12+$0x80];
	[tilespmem:s12+$0x430] =	vst v3  }
0x28: {  	v41 =	vld [tilespmem:s12+$0x90];
	[tilespmem:s12+$0x440] =	vst v4  }
0x29: {  	v42 =	vld [tilespmem:s12+$0xA0];
	[tilespmem:s12+$0x450] =	vst v37  }
0x2a: {  	v43 =	vld [tilespmem:s12+$0xB0];
	[tilespmem:s12+$0x460] =	vst v38  }
0x2b: {  	v44 =	vld [tilespmem:s12+$0xC0];
	[tilespmem:s12+$0x470] =	vst v39  }
0x2c: {  	v45 =	vld [tilespmem:s12+$0xD0];
	[tilespmem:s12+$0x480] =	vst v40  }
0x2d: {  	v46 =	vld [tilespmem:s12+$0xE0];
	[tilespmem:s12+$0x490] =	vst v41  }
0x2e: {  	v47 =	vld [tilespmem:s12+$0xF0];
	[tilespmem:s12+$0x4A0] =	vst v42  }
0x2f: {  	v48 =	vld [tilespmem:s12+$0x100];
	[tilespmem:s12+$0x4B0] =	vst v43  }
0x30: {  	v49 =	vld [tilespmem:s12+$0x110];
	[tilespmem:s12+$0x4C0] =	vst v44  }
0x31: {  	v50 =	vld [tilespmem:s12+$0x120];
	[tilespmem:s12+$0x4D0] =	vst v45  }
0x32: {  	v51 =	vld [tilespmem:s12+$0x130];
	[tilespmem:s12+$0x4E0] =	vst v46  }
0x33: {  	v52 =	vld [tilespmem:s12+$0x140];
	[tilespmem:s12+$0x4F0] =	vst v47  }
0x34: {  	v53 =	vld [tilespmem:s12+$0x150];
	[tilespmem:s12+$0x500] =	vst v48  }
0x35: {  	v54 =	vld [tilespmem:s12+$0x160];
	[tilespmem:s12+$0x510] =	vst v49  }
0x36: {  	v55 =	vld [tilespmem:s12+$0x170];
	[tilespmem:s12+$0x520] =	vst v50  }
0x37: {  	v56 =	vld [tilespmem:s12+$0x180];
	[tilespmem:s12+$0x530] =	vst v51  }
0x38: {  	v57 =	vld [tilespmem:s12+$0x190];
	[tilespmem:s12+$0x540] =	vst v52  }
0x39: {  	v58 =	vld [tilespmem:s12+$0x1A0];
	[tilespmem:s12+$0x550] =	vst v53  }
0x3a: {  	v59 =	vld [tilespmem:s12+$0x1B0];
	[tilespmem:s12+$0x560] =	vst v54  }
0x3b: {  	v60 =	vld [tilespmem:s12+$0x1C0];
	[tilespmem:s12+$0x570] =	vst v55  }
0x3c: {  	v61 =	vld [tilespmem:s12+$0x1D0];
	[tilespmem:s12+$0x580] =	vst v56  }
0x3d: {  	v62 =	vld [tilespmem:s12+$0x1E0];
	[tilespmem:s12+$0x590] =	vst v57  }
0x3e: {  	v63 =	vld [tilespmem:s12+$0x1F0];
	[tilespmem:s12+$0x5A0] =	vst v58  }
0x3f: {  	[tilespmem:s12+$0x5B0] =	vst v59  }
.Ltmp3:
0x40: {  	[tilespmem:s12+$0x5C0] =	vst v60;
	(pc) =	sbr.rel .LBB2_3-.Ltmp3, $4  }
0x41: {  	[tilespmem:s12+$0x5D0] =	vst v61  }
0x42: {  	s11 =	sshrl.u32 s11, $0x3;
	[tilespmem:s12+$0x5E0] =	vst v62  }
0x43: {  	s13 =	sor.u32 $0x400, s12;
	s11 =	sadd.s32 s4, s11;
	[tilespmem:s12+$0x5F0] =	vst v63  }
0x44: {  	[hbm4b:s11+s8] =	stream.linear.scatter [tilespmem:s13], [sflag:$0x2], $0x200, $0x38;
	[tilespmem:$0x800] =	vst v63  }
.LBB2_4:
0x45: {  	_ =	sfence.sel $0x180000  }
0x46: {  	s2 =	simm.s32 $0x1;
	[bflag:$0x0] =	sbarrier.arrive $0xFFFF  }
0x47: {  	s31 =	simm.s32 $0x2;
	[sflag:s2] =	ssyncpa.u1 $0x1  }
0x48: {  	[sflag:s31] =	ssyncpa.u1 $0x1  }
0x49: {  	_ =	strace $0x9000004D  }
0x4a: {  	s0 =	sadd.s32 @!p0 $0x100000, s0;
	[bflag:$0x2] =	sbarrier.arrive $0xFFFF  }
0x4b: {  	[sflag:s0] =	ssyncadd.tile.s32 @!p0 $0x1;
	s0 =	simm.s32 @!p0 $0x3F  }
0x4c: {  	_ =	swait.ge @!p0 [sflag:s0], s1  }
0x4d: {  	s1 =	ssub.s32 @!p0 $0x0, s1;
	[sflag:s0] =	ssyncset.done @!p0 $0x0  }
0x4e: {  	[sflag:s0] =	ssyncadd.s32 @!p0 s1  }
0x4f: {  	[bflag:$0x3] =	sbarrier.arrive $0xFFFF  }
0x50: {  	_ =	shalt  }
.Lfunc_end2:
execute1_lowered:
.L_overlay_start_2:
0x51: {  	(tag) =	ssettag $0x2  }
0x52: {  	s0 =	rddreg [dreg:$0x0];
	_ =	strace $0x80000050;
	s3 =	simm.s32 $0x1  }
0x53: {  	v1 =	vimm.s32 $0xFFFFFFFF;
	[sflag:s3] =	ssyncpa.u1 $0x0  }
0x54: {  	[tilespmem:$0x10] =	vst v1  }
0x55: {  	v0 =	vimm.f32 $0.0e+00;
	[tilespmem:$0x20] =	vst v1  }
0x56: {  	[tilespmem:$0x30] =	vst v0  }
0x57: {  	s2 =	simm.s32 $0x2;
	s6 =	simm.s32 $0x7;
	s26 =	stileid.u32;
	[tilespmem:$0x40] =	vst v0  }
0x58: {  	s7 =	simm.s32 $0x8;
	s31 =	simm.s32 $0x9;
	s14 =	simm.s32 $0x0;
	[tilespmem:$0x50] =	vst v0  }
0x59: {  	s15 =	simm.s32 $0x100;
	s18 =	simm.s32 $0x10;
	s19 =	simm.s32 $0x2500;
	[tilespmem:$0x60] =	vst v1  }
0x5a: {  	s20 =	simm.s32 $0xF;
	s21 =	simm.s32 $0x50;
	s22 =	simm.s32 $0x10FF;
	[tilespmem:$0x70] =	vst v1  }
0x5b: {  	s23 =	simm.s32 $0x20;
	s24 =	simm.s32 $0x30;
	s25 =	simm.s32 $0x20FF;
	[tilespmem:$0x80] =	vst v1  }
0x5c: {  	s30 =	simm.s32 $0x0;
	s29 =	simm.s32 $0x0;
	s1 =	sadd.s32 $0x4800, s0;
	v1 =	vimm.s32 $0x0;
	[tilespmem:$0xB0] =	vst v0  }
.Ltmp4:
0x5d: {  	s4 =	sadd.s32 $0x1000, s0;
	s5 =	sadd.s32 $0x3000, s0;
	[tilespmem:$0x90] =	vst v1;
	(pc) =	sbr.rel .LBB3_1-.Ltmp4, $4  }
0x5e: {  	s8 =	sshll.u32 s26, $0xA;
	s10 =	sshll.u32 s26, $0x1;
	[tilespmem:$0xA0] =	vst v1;
	[sflag:s2] =	ssyncpa.u1 $0x0  }
0x5f: {  	s12 =	sshllo.u32 s26, $0x1;
	s26 =	simm.s32 $0x80;
	[sflag:s6] =	ssyncpa.u1 $0x0  }
0x60: {  	vm0 =	vmmov $0xffff;
	v2 =	vlaneseq.u32;
	s9 =	sadd.s32 $0x400, s8;
	s11 =	sor.u32 $0x81, s10;
	[sflag:s7] =	ssyncpa.u1 $0x0  }
0x61: {  	vm1 =	vmxor vm1, vm1;
	vm2 =	vmmov $0x1;
	vm3 =	vcmask $0x3F3C;
	s13 =	sor.u32 $0x80, s10;
	s28 =	smov.u32 s8;
	[sflag:s31] =	ssyncpa.u1 $0x0  }
.LBB3_3:
0x62: {  	s0 =	sshrl.u32 s28, $0x3  }
0x63: {  	s2 =	sand.u32 $0x7, s28;
	s0 =	sadd.s32 s4, s0  }
0x64: {  	[tilespmem:s15], [sflag:$0x7] =	stream.linear.gather [hbm4b:s0+s2], $0x400, $0x38;
	[tilespmem:$0x2520] =	vst v63  }
.LBB3_4:
0x65: {  	s0 =	sadd.s32 $0x400, s28  }
0x66: {  	s2 =	smov.u32 s8;
	s29 =	sadd.s32 $0x1, s29;
	p0 =	slt.s32 s0, s9  }
0x67: {  	s2 =	smov.u32 @p0 s0;
	p0 =	sne.s32 s29, $0x4  }
.Ltmp5:
0x68: {  	_ = 	snop;
	(pc) =	sbr.rel @!p0 .LBB3_13-.Ltmp5, $2  }
0x69: {  	_ =	sdelay $0x2  }
0x6a: {  	s30 =	smov.u32 s28;
	s28 =	smov.u32 s2  }
.LBB3_1:
0x6b: {  	p0 =	sgt.s32 s29, $0x1  }
.Ltmp6:
0x6c: {  	_ = 	snop;
	(pc) =	sbr.rel @p0 .LBB3_11-.Ltmp6, $1  }
0x6d: {  	_ =	sdelay $0x3  }
0x6e: {  	p0 =	seq.s32 s29, $0x0  }
.Ltmp7:
0x6f: {  	_ = 	snop;
	(pc) =	sbr.rel @p0 .LBB3_3-.Ltmp7, $1  }
0x70: {  	_ =	sdelay $0x3  }
0x71: {  	_ =	swait.ge [sflag:s6], $0x400  }
0x72: {  	[sflag:s6] =	ssyncset.done $0x0  }
0x73: {  	[sflag:s6] =	ssyncadd.s32 $0xFFFFFC00;
	(ifvalue) =	ssetifvalue $0xFFFFFFFF;
	v3 =	vld.msk [tilespmem:s15+$0x0 ss:$0x1], $0xffff;
	_ =	sdelay $0x4  }
0x74: {  	v4 =	vperm.xlane v3, v1  }
0x75: {  	vm4 =	vlt.u32 v3, $0x2000  }
0x76: {  	v3 =	vnsel vm4, $0xFFFFFFFE, v3;
	vm4 =	vlt.u32 v4, $0x2000  }
0x77: {  	[tilespmem:$0x70] =	vst v3;
	v3 =	vnsel vm4, $0xFFFFFFFE, v4  }
0x78: {  	s17 =	simm.s32 $0x4F0;
	[tilespmem:$0x80] =	vst v3  }
0x79: {  	v3 =	vld.msk [tilespmem:s17+$0x0 ss:$0x1], $0xffff;
	_ =	sdelay $0x4  }
0x7a: {  	(xrf1) =	vunique.msk.u32 $0xffff, v3;
	_ =	sdelay $0xd  }
0x7b: {  	v4 =	vimm.s32 $0xFFFFFFFF;
	v5, _, _ =	vpop (xrf1)  }
0x7c: {  	vm5 =	vne.s32 v3, v4;
	vm4 =	veq.s32 v5, v2  }
0x7d: {  	vm6 =	vlt.u32 v3, $0x2000;
	vm4 =	vmand vm5, vm4  }
0x7e: {  	vm4 =	vmand vm6, vm4  }
0x7f: {  	v4 =	vnsel vm4, $0xFFFFFFFF, v3;
	_ =	sdelay $0x3  }
0x80: {  	s0 =	simm.s32 $0x10F0;
	(ifvalue) =	ssetifvalue $0xFFFFFFFF  }
0x81: {  	v3 =	vperm.xlane v3, v1;
	[tilespmem:s0], [sflag:$0x8] =	stream.indirect_vreg.gather [hbm4b:s1+s14], $0x1, v4, vm0, $0x4038;
	v4 =	vnsel vm6, $0xFFFFFFFE, v4;
	[tilespmem:$0x2520] =	vst v63  }
0x82: {  	s2 =	simm.s32 $0x0;
	s16 =	simm.s32 $0x4E0;
	[tilespmem:s17+$0x0] =	vst v4  }
.LBB3_6:
0x83: {  	v4 =	vld.msk [tilespmem:s16+$0x0 ss:$0x1], $0xffff;
	s2 =	sadd.s32 $0x10, s2;
	v5 =	vmov v3;
	s17 =	smov.u32 s16  }
0x84: {  	p0 =	slt.u32 s2, $0x3F0;
	_ =	sdelay $0x4  }
0x85: {  	v3 =	vperm.xlane v4, v1;
	(xrf1) =	vunique.msk.u32 $0xffff, v4;
	_ =	sdelay $0xd  }
0x86: {  	v6, _, _ =	vpop (xrf1)  }
0x87: {  	vm5 =	vne.s32 v4, v5;
	vm4 =	veq.s32 v6, v2  }
0x88: {  	vm6 =	vlt.u32 v4, $0x2000;
	vm4 =	vmand vm5, vm4  }
0x89: {  	vm4 =	vmand vm6, vm4  }
0x8a: {  	v4 =	vnsel vm4, $0xFFFFFFFF, v4  }
.Ltmp8:
0x8b: {  	v5 =	vnsel vm6, $0xFFFFFFFE, v4;
	(pc) =	sbr.rel @p0 .LBB3_6-.Ltmp8, $3  }
0x8c: {  	_ =	sdelay $0x1  }
0x8d: {  	s16 =	sadd.s32 $0xFFFFFFF0, s16;
	s0 =	sadd.s32 $0xFFFFFFF0, s0;
	(ifvalue) =	ssetifvalue $0xFFFFFFFF  }
0x8e: {  	[tilespmem:s0], [sflag:$0x8] =	stream.indirect_vreg.gather [hbm4b:s1+s14], $0x1, v4, vm0, $0x4038;
	[tilespmem:s17+$0x0] =	vst v5  }
.Ltmp9:
0x8f: {  	(pc) =	sbr.rel .LBB3_4-.Ltmp9, $4  }
0x90: {  	_ = 	snop  }
0x91: {  	s0 =	sshrl.u32 s30, $0x3  }
0x92: {  	s2 =	simm.s32 $0x1500;
	s0 =	sadd.s32 s5, s0  }
0x93: {  	[tilespmem:s2], [sflag:$0x8] =	stream.linear.gather [hbm:s0], $0x400, $0x38;
	[tilespmem:$0x2520] =	vst v63  }
.LBB3_11:
0x94: {  	p0 =	seq.s32 s29, $0x2  }
.Ltmp10:
0x95: {  	_ = 	snop;
	(pc) =	sbr.rel @!p0 .LBB3_12-.Ltmp10, $1  }
0x96: {  	_ =	sdelay $0x3  }
0x97: {  	_ =	swait.ge [sflag:s7], $0x800  }
0x98: {  	[sflag:s7] =	ssyncset.done $0x0  }
0x99: {  	s0 =	simm.s32 $0x4FF;
	[sflag:s7] =	ssyncadd.s32 $0xFFFFF800  }
0x9a: {  	[spmem:s11] =	stream.linear.scatter [tilespmem:s0], [sflag:$0x1], $0x1, $0x38;
	[tilespmem:$0x2520] =	vst v63  }
0x9b: {  	_ =	swait.ge [sflag:s3], $0x1  }
0x9c: {  	[sflag:s3] =	ssyncset.done $0x0  }
0x9d: {  	[sflag:s3] =	ssyncadd.s32 $0xFFFFFFFF  }
0x9e: {  	v4 =	vld [tilespmem:$0x10]  }
0x9f: {  	v5 =	vld [tilespmem:$0x70]  }
0xa0: {  	v3 =	vld [tilespmem:$0x80];
	_ =	sdelay $0x2  }
0xa1: {  	(v2sf) =	vpush v4, $0x0  }
0xa2: {  	(v2sf) =	vpush v5, $0x0  }
0xa3: {  	(v2sf) =	vpush v3, $0x0;
	_ =	sdelay $0xc  }
0xa4: {  	s16 =	spop (v2sf)  }
0xa5: {  	s2 =	spop (v2sf)  }
0xa6: {  	s30 =	spop (v2sf)  }
0xa7: {  	p0 =	seq.s32 s16, s2;
	p1 =	seq.s32 s30, s16  }
0xa8: {  	p1 =	por p0, p1  }
0xa9: {  	v4 =	vpsel p1, $0xFFFFFFFF, v4  }
0xaa: {  	[tilespmem:s18+$0x0] =	vst.msk $0x1, v4  }
0xab: {  	v4 =	vld [tilespmem:$0x30]  }
0xac: {  	v5 =	vld [tilespmem:$0x1500]  }
0xad: {  	v6 =	vld [tilespmem:$0x40];
	_ =	sdelay $0x3  }
0xae: {  	vm4 =	vmmov vm1;
	v5 =	vadd.f32 v5, v4  }
0xaf: {  	vm5 =	vmmov vm2;
	s31 =	simm.s32 $0x1500;
	vm4 =	vmmov @p0 vm2;
	v4 =	vadd.f32 v6, v4  }
0xb0: {  	vm5 =	vmmov @p1 vm1;
	[tilespmem:s31+$0x0] =	vst.msk vm4, v5  }
0xb1: {  	[tilespmem:s19+$0x0] =	vst.msk vm5, v4  }
0xb2: {  	v4 =	vld [tilespmem:$0x10F0];
	_ =	sdelay $0x3  }
0xb3: {  	v5 =	vimm.f32 $0.0e+00  }
0xb4: {  	v4 =	vshift.insert v4, v5, s20;
	_ =	sdelay $0x1  }
0xb5: {  	[tilespmem:s21+$0x0] =	vst.msk $0x1, v4  }
0xb6: {  	[tilespmem:s22+$0x0] =	vst.msk $0x1, v5  }
0xb7: {  	v4 =	vld [tilespmem:$0x4F0];
	_ =	sdelay $0x4  }
0xb8: {  	v4 =	vshift.insert v4, v1, s20;
	_ =	sdelay $0x1  }
0xb9: {  	[tilespmem:s23+$0x0] =	vst.msk $0x1, v4  }
0xba: {  	s17 =	simm.s32 $0x100;
	v6 =	vld [tilespmem:s31+$0x0]  }
0xbb: {  	v7 =	vld [tilespmem:s17+$0x0];
	_ =	sdelay $0x3  }
0xbc: {  	v5 =	vadd.f32 v6, v5  }
0xbd: {  	vm4 =	vne.s32 v7, $0xFFFFFFFF  }
0xbe: {  	(xrf2) =	vadd.seg.scan.f32 vm4, v5;
	_ =	sdelay $0x3  }
0xbf: {  	s0 =	simm.s32 $0xD00;
	v5 =	vperm.xlane v4, v1  }
0xc0: {  	v6 =	vld [tilespmem:s0+$0x0]  }
0xc1: {  	vm5 =	veq.s32 v7, v3;
	vm6 =	veq.s32 v7, v5  }
0xc2: {  	vm7 =	vgt.u32 v7, $0xFFFFFFFD;
	vm6 =	vmor vm6, vm5  }
0xc3: {  	vm6 =	vmor vm6, vm7  }
0xc4: {  	v9 =	vld [tilespmem:$0xA0];
	v7 =	vsel vm6, $0xFFFFFFFF, v7  }
0xc5: {  	v10 =	vld [tilespmem:$0x90];
	v6 =	vsel vm5, $0x0, v6;
	v8, _, _ =	vpop (xrf2)  }
0xc6: {  	v6 =	vadd.f32 v8, v6  }
0xc7: {  	s2 =	simm.s32 $0x1D00  }
0xc8: {  	vm4 =	vmand vm4, vm3;
	[tilespmem:s2+$0x0] =	vst v6;
	(ifvalue) =	ssetifvalue $0xFFFFFFFF  }
0xc9: {  	vm6 =	veq.s32 v9, $0x1;
	[hbm4b:s1+s14] =	stream.indirect_vreg.scatter [tilespmem:s2], [sflag:$0x2], $0x1, v7, vm0, $0x4038;
	v7 =	vsel vm4, $0x0, v8;
	[tilespmem:$0x2520] =	vst v63  }
0xca: {  	s16 =	simm.s32 $0x0;
	s17 =	simm.s32 $0x110;
	vm4 =	vmor vm6, vm5;
	v6 =	vsel vm5, v8, v10;
	v7 =	vshift.insert v7, v0, s20  }
.LBB3_9:
0xcb: {  	v8 =	vld [tilespmem:s17+$0x0];
	s31 =	sadd.s32 $0x10, s31  }
0xcc: {  	s0 =	sadd.s32 $0x10, s0;
	v9 =	vld [tilespmem:s31+$0x0]  }
0xcd: {  	s16 =	sadd.s32 $0x10, s16;
	v10 =	vld [tilespmem:s0+$0x0]  }
0xce: {  	p0 =	slt.u32 s16, $0x3F0;
	_ =	sdelay $0x2  }
0xcf: {  	v7 =	vadd.f32 v9, v7  }
0xd0: {  	vm5 =	vne.s32 v8, $0xFFFFFFFF  }
0xd1: {  	vm6 =	vmand vm5, vm3;
	(xrf2) =	vadd.seg.scan.f32 vm5, v7;
	_ =	sdelay $0x5  }
0xd2: {  	vm7 =	veq.s32 v8, v5;
	vm5 =	veq.s32 v8, v3  }
0xd3: {  	vm8 =	vgt.u32 v8, $0xFFFFFFFD;
	vm4 =	vmor vm4, vm5;
	vm7 =	vmor vm7, vm5  }
0xd4: {  	vm7 =	vmor vm7, vm8  }
0xd5: {  	v8 =	vsel vm7, $0xFFFFFFFF, v8  }
.Ltmp11:
0xd6: {  	v7 =	vsel vm5, $0x0, v10;
	v9, _, _ =	vpop (xrf2);
	(pc) =	sbr.rel @p0 .LBB3_9-.Ltmp11, $4  }
0xd7: {  	v6 =	vsel vm5, v9, v6;
	v10 =	vadd.f32 v9, v7;
	v7 =	vsel vm6, $0x0, v9  }
0xd8: {  	s2 =	sadd.s32 $0x10, s2;
	v7 =	vshift.insert v7, v0, s20  }
0xd9: {  	s17 =	sadd.s32 $0x10, s17;
	[tilespmem:s2+$0x0] =	vst v10;
	(ifvalue) =	ssetifvalue $0xFFFFFFFF  }
0xda: {  	[hbm4b:s1+s14] =	stream.indirect_vreg.scatter [tilespmem:s2], [sflag:$0x2], $0x1, v8, vm0, $0x4038;
	[tilespmem:$0x2520] =	vst v63  }
0xdb: {  	v3 =	vld [tilespmem:$0x20F0];
	_ =	sdelay $0x4  }
0xdc: {  	v3 =	vshift.insert v3, v0, s20;
	_ =	sdelay $0x1  }
0xdd: {  	[tilespmem:s24+$0x0] =	vst.msk $0x1, v3  }
0xde: {  	v3 =	vsel vm4, $0x1, v1;
	[tilespmem:$0x90] =	vst v6  }
0xdf: {  	[tilespmem:$0xA0] =	vst v3  }
0xe0: {  	[spmem:s12] =	stream.linear.scatter [tilespmem:s25], [sflag:$0x1], $0x1, $0x38;
	[tilespmem:$0x2520] =	vst v63  }
0xe1: {  	v3 =	vmctz.xlane vm4;
	_ =	swait.ge [sflag:s3], $0x1  }
0xe2: {  	(v2sf) =	vpush v4, $0x0  }
0xe3: {  	(v2sf) =	vpush v3, $0x0;
	_ =	sdelay $0xd  }
0xe4: {  	s0 =	spop (v2sf)  }
0xe5: {  	s2 =	spop (v2sf)  }
0xe6: {  	[sflag:s3] =	ssyncset.done $0x0;
	p0 =	sne.s32 s30, s0;
	p1 =	slt.s32 s2, $0xF  }
0xe7: {  	[sflag:s3] =	ssyncadd.s32 $0xFFFFFFFF;
	v3 =	vimm.s32 @!p0 $0xFFFFFFFF;
	s2 =	simm.s32 @!p1 $0xF  }
0xe8: {  	[tilespmem:$0x80] =	vst @!p0 v3;
	s31 =	sadd.s32 $0x90, s2  }
0xe9: {  	[spmem:s10] =	stream.linear.scatter [tilespmem:s31], [sflag:$0x1], $0x1, $0x38;
	[tilespmem:$0x2520] =	vst v63  }
0xea: {  	_ =	swait.ge [sflag:s3], $0x1  }
0xeb: {  	[sflag:s3] =	ssyncset.done $0x0  }
0xec: {  	[sflag:s3] =	ssyncadd.s32 $0xFFFFFFFF  }
0xed: {  	[spmem:s13] =	stream.linear.scatter [tilespmem:s26], [sflag:$0x1], $0x1, $0x38;
	[tilespmem:$0x2520] =	vst v63  }
0xee: {  	_ =	swait.ge [sflag:s3], $0x1  }
0xef: {  	[sflag:s3] =	ssyncset.done $0x0  }
0xf0: {  	[sflag:s3] =	ssyncadd.s32 $0xFFFFFFFF;
	(ifvalue) =	ssetifvalue $0xFFFFFFFF;
	v3 =	vld [tilespmem:$0x10];
	_ =	sdelay $0x3  }
.Ltmp12:
0xf1: {  	_ = 	snop;
	(pc) =	sbr.rel .LBB3_4-.Ltmp12, $3  }
0xf2: {  	_ =	sdelay $0x1  }
0xf3: {  	(ifvalue) =	ssetifvalue $0xFFFFFFFF  }
0xf4: {  	[hbm4b:s1+s14] =	stream.indirect_vreg.scatter [tilespmem:s19], [sflag:$0x9], $0x1, v3, vm0, $0x4038;
	[tilespmem:$0x2520] =	vst v63  }
.LBB3_12:
0xf5: {  	s0 =	simm.s32 $0x2  }
0xf6: {  	_ =	swait.ge [sflag:s0], $0x400  }
0xf7: {  	[sflag:s0] =	ssyncset.done $0x0  }
0xf8: {  	s31 =	simm.s32 $0x9;
	[sflag:s0] =	ssyncadd.s32 $0xFFFFFC00  }
0xf9: {  	_ =	swait.ge [sflag:s31], $0x10  }
0xfa: {  	[sflag:s31] =	ssyncset.done $0x0  }
0xfb: {  	[sflag:s31] =	ssyncadd.s32 $0xFFFFFFF0  }
.LBB3_13:
0xfc: {  	_ =	sfence.sel $0x180000  }
0xfd: {  	s0 =	simm.s32 $0x7;
	[bflag:$0x0] =	sbarrier.arrive $0xFFFF  }
0xfe: {  	s26 =	simm.s32 $0x8;
	[sflag:s0] =	ssyncpa.u1 $0x1  }
0xff: {  	s28 =	simm.s32 $0x9;
	[sflag:s26] =	ssyncpa.u1 $0x1  }
0x100: {  	[sflag:s28] =	ssyncpa.u1 $0x1  }
0x101: {  	_ =	sfence.stream.spmem  }
0x102: {  	s29 =	simm.s32 $0x3;
	[bflag:$0x0] =	sbarrier.arrive $0xFFFF  }
0x103: {  	s30 =	simm.s32 $0x4;
	[sflag:s29] =	ssyncpa.u1 $0x1  }
0x104: {  	s31 =	simm.s32 $0x3C;
	s2 =	stileid.u32;
	[sflag:s30] =	ssyncpa.u1 $0x1  }
0x105: {  	p0 =	sne.s32 s2, $0x0;
	[sflag:s31] =	ssyncpa.u1 $0x1  }
0x106: {  	s0 =	simm.s32 @p0 $0x1;
	_ =	sfence @p0  }
0x107: {  	[sflag:s0] =	ssyncpa.u1 @p0 $0x1;
	s0 =	simm.s32 @p0 $0x2  }
0x108: {  	[sflag:s0] =	ssyncpa.u1 @p0 $0x1  }
0x109: {  	_ =	strace @p0 $0x90000050  }
0x10a: {  	[bflag:$0x2] =	sbarrier.arrive @p0 $0xFFFF  }
0x10b: {  	_ =	shalt @p0  }
.LBB3_14:
0x10c: {  	_ =	sfence.stream.spmem;
	s0 =	simm.s32 $0x5  }
0x10d: {  	s2 =	simm.s32 $0x80;
	s3 =	simm.s32 $0xC0;
	[sflag:s0] =	ssyncpa.u1 $0x0  }
0x10e: {  	[tilespmem:s3], [sflag:$0x5] =	stream.linear.gather [spmem:s2], $0x20, $0x38;
	[tilespmem:$0x2520] =	vst v63  }
0x10f: {  	s2 =	simm.s32 $0x0;
	s3 =	simm.s32 $0xE0  }
0x110: {  	[tilespmem:s3], [sflag:$0x5] =	stream.linear.gather [spmem:s2], $0x20, $0x38;
	[tilespmem:$0x2520] =	vst v63  }
.Ltmp13:
0x111: {  	_ = 	snop;
	(pc) =	sbr.rel .LBB3_15-.Ltmp13, $4  }
0x112: {  	_ =	swait.ge [sflag:s0], $0x40  }
0x113: {  	[sflag:s0] =	ssyncset.done $0x0  }
0x114: {  	s31 =	simm.s32 $0x6;
	[sflag:s0] =	ssyncadd.s32 $0xFFFFFFC0  }
0x115: {  	s4 =	simm.s32 $0x0;
	[sflag:s31] =	ssyncpa.u1 $0x0  }
.LBB3_20:
0x116: {  	p0 =	sgt.u32 s0, $0x1FFF  }
0x117: {  	s5 =	sshrl.u32 @!p0 s0, $0x3  }
0x118: {  	s0 =	sand.u32 @!p0 $0x7, s0;
	s6 =	simm.s32 @!p0 $0xB0;
	s5 =	sadd.s32 @!p0 s1, s5  }
0x119: {  	[tilespmem:s6], [sflag:$0x6] =	stream.linear.gather @!p0 [hbm4b:s5+s0], $0x1, $0x38;
	[tilespmem:$0x2520] =	vst v63  }
0x11a: {  	s0 =	simm.s32 @!p0 $0x6  }
0x11b: {  	_ =	swait.ge @!p0 [sflag:s0], $0x1  }
0x11c: {  	[sflag:s0] =	ssyncset.done @!p0 $0x0  }
0x11d: {  	[sflag:s0] =	ssyncadd.s32 @!p0 $0xFFFFFFFF  }
0x11e: {  	v2 =	vmov @!p0 s4;
	v1 =	vld.msk @!p0 [tilespmem:$0xB0], $0x1;
	_ =	sdelay $0x3  }
0x11f: {  	s0 =	simm.s32 @!p0 $0xE0  }
0x120: {  	[tilespmem:v2+s0+$0x0], v1 =	vst.idx.ret.add.f32.msk @!p0 $0x1, v1  }
0x121: {  	[tilespmem:s2+$0xC0] =	vst.msk $0x1, v0  }
0x122: {  	v0 =	vld.msk [tilespmem:s4+$0xE0], $0x1;
	_ =	sdelay $0x4  }
0x123: {  	[tilespmem:s2+$0xE0] =	vst.msk $0x1, v0;
	s2 =	sadd.s32 $0x1, s2  }
.LBB3_22:
0x124: {  	s4 =	sadd.s32 $0x1, s4  }
0x125: {  	p0 =	sne.s32 s4, $0x20  }
.Ltmp14:
0x126: {  	_ = 	snop;
	(pc) =	sbr.rel @!p0 .LBB3_23-.Ltmp14, $1  }
0x127: {  	_ =	sdelay $0x3  }
.LBB3_15:
0x128: {  	v0 =	vld.msk [tilespmem:s4+$0xC0], $0x1;
	_ =	sdelay $0x4  }
0x129: {  	(v2sf) =	vpush v0, $0x0;
	_ =	sdelay $0xe  }
0x12a: {  	s0 =	spop (v2sf)  }
0x12b: {  	p0 =	seq.s32 s0, $0xFFFFFFFF  }
.Ltmp15:
0x12c: {  	_ = 	snop;
	(pc) =	sbr.rel @p0 .LBB3_22-.Ltmp15, $1  }
0x12d: {  	_ =	sdelay $0x3  }
0x12e: {  	p0 =	slt.s32 s2, $0x1  }
.Ltmp16:
0x12f: {  	_ = 	snop;
	(pc) =	sbr.rel @p0 .LBB3_20-.Ltmp16, $1  }
0x130: {  	_ =	sdelay $0x3  }
0x131: {  	s5 =	simm.s32 $0xC0;
	p0 =	por $0x0, $0x0  }
0x132: {  	v1 =	vld.msk @!p0 [tilespmem:s5+$0x0], $0x1;
	_ =	sdelay $0x4  }
0x133: {  	(v2sf) =	vpush @!p0 v1, $0x0;
	_ =	sdelay $0xd  }
0x134: {  	p2 =	sne.s32 s2, $0x1  }
.Ltmp17:
0x135: {  	s6 =	spop @!p0 (v2sf);
	(pc) =	sbr.rel @!p2 .LBB3_19-.Ltmp17, $4  }
0x136: {  	p1 =	seq.s32 @!p0 s0, s6  }
0x137: {  	s6 =	simm.s32 $0x0;
	p1 =	por !p1, p0  }
0x138: {  	s8 =	simm.s32 $0xFFFFFFFF;
	s6 =	simm.s32 @p1 $0xFFFFFFFF  }
0x139: {  	s7 =	simm.s32 $0x1;
	s6 =	smov.u32 @p0 s8  }
.LBB3_18:
0x13a: {  	s8 =	smov.u32 s6;
	p0 =	sne.s32 s6, $0xFFFFFFFF  }
0x13b: {  	s5 =	sadd.s32 $0x1, s5;
	s6 =	smov.u32 s7;
	s7 =	sadd.s32 $0x1, s7  }
0x13c: {  	p1 =	sne.s32 s2, s7;
	v1 =	vld.msk @!p0 [tilespmem:s5+$0x0], $0x1;
	_ =	sdelay $0x4  }
0x13d: {  	(v2sf) =	vpush @!p0 v1, $0x0;
	_ =	sdelay $0xe  }
.Ltmp18:
0x13e: {  	s9 =	spop @!p0 (v2sf);
	(pc) =	sbr.rel @p1 .LBB3_18-.Ltmp18, $4  }
0x13f: {  	p2 =	seq.s32 @!p0 s0, s9  }
0x140: {  	p2 =	por !p2, p0  }
0x141: {  	s6 =	simm.s32 @p2 $0xFFFFFFFF  }
0x142: {  	s6 =	smov.u32 @p0 s8  }
.LBB3_19:
0x143: {  	p0 =	sne.s32 s6, $0xFFFFFFFF  }
.Ltmp19:
0x144: {  	_ = 	snop;
	(pc) =	sbr.rel @!p0 .LBB3_20-.Ltmp19, $1  }
0x145: {  	_ =	sdelay $0x3  }
0x146: {  	v0 =	vld.msk [tilespmem:s4+$0xE0], $0x1;
	v1 =	vmov s6  }
.Ltmp20:
0x147: {  	_ = 	snop;
	(pc) =	sbr.rel .LBB3_22-.Ltmp20, $2  }
0x148: {  	_ =	sdelay $0x2  }
0x149: {  	[tilespmem:v1+s3+$0x0], v0 =	vst.idx.ret.add.f32.msk $0x1, v0  }
.LBB3_23:
0x14a: {  	p0 =	slt.s32 s2, $0x1  }
.Ltmp21:
0x14b: {  	_ = 	snop;
	(pc) =	sbr.rel @p0 .LBB3_27-.Ltmp21, $3  }
0x14c: {  	_ =	sdelay $0x1  }
0x14d: {  	s0 =	simm.s32 $0x6  }
0x14e: {  	[sflag:s0] =	ssyncpa.u1 $0x1;
	s0 =	simm.s32 $0x0  }
0x14f: {  	s3 =	simm.s32 $0xC0  }
0x150: {  	v0 =	vld.msk [tilespmem:s3+$0x0], $0x1;
	_ =	sdelay $0x4  }
0x151: {  	(v2sf) =	vpush v0, $0x0;
	_ =	sdelay $0xe  }
0x152: {  	s2 =	sadd.s32 $0xFFFFFFFF, s2;
	s4 =	spop (v2sf)  }
0x153: {  	p1 =	sne.s32 s2, $0x0;
	p0 =	sgt.u32 s4, $0x1FFF  }
.Ltmp22:
0x154: {  	s5 =	sshrl.u32 @!p0 s4, $0x3;
	(pc) =	sbr.rel @!p1 .LBB3_26-.Ltmp22, $4  }
0x155: {  	s3 =	simm.s32 $0xE0;
	s4 =	sand.u32 @!p0 $0x7, s4;
	s5 =	sadd.s32 @!p0 s1, s5  }
0x156: {  	[hbm4b:s5+s4] =	stream.linear.scatter @!p0 [tilespmem:s3], [sflag:$0x5], $0x1, $0x38;
	[tilespmem:$0x2520] =	vst v63  }
0x157: {  	s5 =	simm.s32 $0x0  }
0x158: {  	s4 =	simm.s32 $0xC1;
	s5 =	simm.s32 @!p0 $0x4  }
.LBB3_25:
0x159: {  	v0 =	vld.msk [tilespmem:s4+$0x0], $0x1;
	s2 =	sadd.s32 $0xFFFFFFFF, s2;
	s0 =	sadd.s32 s0, s5  }
0x15a: {  	p0 =	sne.s32 s2, $0x0;
	_ =	sdelay $0x3  }
0x15b: {  	(v2sf) =	vpush v0, $0x0;
	_ =	sdelay $0xe  }
.Ltmp23:
0x15c: {  	s6 =	spop (v2sf);
	(pc) =	sbr.rel @p0 .LBB3_25-.Ltmp23, $4  }
0x15d: {  	s5 =	simm.s32 $0x0;
	p1 =	sgt.u32 s6, $0x1FFF  }
0x15e: {  	s3 =	sadd.s32 $0x1, s3;
	s5 =	simm.s32 @!p1 $0x4;
	s7 =	sshrl.u32 @!p1 s6, $0x3  }
0x15f: {  	s4 =	sadd.s32 $0x1, s4;
	s6 =	sand.u32 @!p1 $0x7, s6;
	s7 =	sadd.s32 @!p1 s1, s7  }
0x160: {  	[hbm4b:s7+s6] =	stream.linear.scatter @!p1 [tilespmem:s3], [sflag:$0x5], $0x1, $0x38;
	[tilespmem:$0x2520] =	vst v63  }
.LBB3_26:
0x161: {  	s0 =	sadd.s32 s0, s5  }
0x162: {  	s0 =	sshrl.u32 s0, $0x2  }
.LBB3_27:
0x163: {  	s1 =	simm.s32 $0x5  }
0x164: {  	_ =	swait.ge [sflag:s1], s0  }
0x165: {  	s28 =	ssub.s32 $0x0, s0;
	[sflag:s1] =	ssyncset.done $0x0  }
0x166: {  	[sflag:s1] =	ssyncadd.s32 s28  }
0x167: {  	[sflag:s1] =	ssyncpa.u1 $0x1  }
0x168: {  	s29 =	simm.s32 $0x1;
	_ =	sfence  }
0x169: {  	s30 =	simm.s32 $0x2;
	[sflag:s29] =	ssyncpa.u1 $0x1  }
0x16a: {  	[sflag:s30] =	ssyncpa.u1 $0x1  }
0x16b: {  	_ =	strace $0x90000050  }
0x16c: {  	[bflag:$0x2] =	sbarrier.arrive $0xFFFF  }
0x16d: {  	s31 =	rddreg [dreg:$0x1]  }
0x16e: {  	s0 =	sadd.s32 $0x100000, s31  }
0x16f: {  	[sflag:s0] =	ssyncadd.tile.s32 $0x1;
	_ =	shalt  }
.Lfunc_end3:
_tile_overlayer_lowered:
.L_overlay_start_3:
0x170: {  	(tag) =	ssettag $0x3  }
0x171: {  	s0 =	rddreg [dreg:$0x0];
	s2 =	stileid.u32  }
0x172: {  	s1 =	rddreg [dreg:$0x1];
	p0 =	sne.s32 s2, $0x0  }
0x173: {  	s3 =	rddreg [dreg:$0x2];
	[bflag:$0x3] =	sbarrier.arrive $0xFFFF;
	s2 =	simm.s32 @!p0 $0x1C01  }
0x174: {  	[timem:s3], [sflag:s2] =	dma.local @!p0 [hbm:s0], s1  }
0x175: {  	s0 =	simm.s32 @!p0 $0x1  }
0x176: {  	_ =	swait.ge @!p0 [sflag:s0], s1  }
0x177: {  	s1 =	ssub.s32 @!p0 $0x0, s1;
	[sflag:s0] =	ssyncset.done @!p0 $0x0  }
0x178: {  	[sflag:s0] =	ssyncadd.s32 @!p0 s1  }
0x179: {  	[bflag:$0x3] =	sbarrier.arrive $0xFFFF  }
0x17a: {  	_ =	shalt  }

// kernel: scatter_offload_async_start.2
scs
__scs_entry_jumppad:
0x0: {  	(pc) =	sbr.rel $0x88, $3  }
0x1: {  	(tag) =	ssettag $0x0;
	lr =	simm.s32 $0x1  }
0x2: {  	[smem:$0x3F9E] =	sst lr;
	_ =	strace $0xD0000000  }
0x3: {  	_ = 	snop  }
0x4: {  	_ = 	snop  }
0x5: {  	_ = 	snop  }
0x6: {  	_ = 	snop  }
0x7: {  	_ = 	snop  }
__scs_overlays_trampoline_lowered:
0x8: {  	[smem:$0x3FAD] =	sst s0  }
0x9: {  	[smem:$0x3FAE] =	sst s1  }
0xa: {  	[smem:$0x3FAF] =	sst s2  }
0xb: {  	[smem:$0x3FB0] =	sst s3  }
0xc: {  	[smem:$0x3FB1] =	sst s4  }
0xd: {  	[smem:$0x3FB2] =	sst s5  }
0xe: {  	[smem:$0x3FB3] =	sst s6  }
0xf: {  	[smem:$0x3FB4] =	sst s7  }
0x10: {  	[smem:$0x3FB5] =	sst s8  }
0x11: {  	[smem:$0x3FB6] =	sst s9;
	s0 =	simm.s32 @!p0 $0x0  }
0x12: {  	s1 =	sld [smem:$0x3F9C];
	s0 =	simm.s32 @p0 $0x1  }
0x13: {  	[smem:$0x3FB7] =	sst s0;
	s0 =	simm.s32 @!p1 $0x0  }
0x14: {  	s2 =	sld [smem:$0x3F9B];
	s0 =	simm.s32 @p1 $0x1  }
0x15: {  	[smem:$0x3FB8] =	sst s0;
	s0 =	simm.s32 @!p2 $0x0  }
0x16: {  	s3 =	sld [smem:$0x3FDB];
	s0 =	simm.s32 @p2 $0x1  }
0x17: {  	s4 =	simm.s32 $0x1BF5;
	[smem:$0x3FBA] =	sst s0  }
0x18: {  	s0 =	sld [smem:$0x3F9D];
	_ =	swait.ge [sflag:s4], $0x0  }
0x19: {  	s7 =	sld [smem:$0x3F9E]  }
0x1a: {  	s8 =	sadd.s32 $0xFFFFE003, lr  }
0x1b: {  	s9 =	sadd.s32 $0xFFFFFEF7, lr;
	s5 =	simm.s32 $0xFFFFFFFF;
	p2 =	slt.u32 s8, $0xFFFFF086  }
0x1c: {  	p1 =	slt.u32 s9, $0xF7A;
	s5 =	simm.s32 @!p2 $0x0  }
0x1d: {  	s5 =	simm.s32 @p1 $0x1;
	p0 =	seq.s32 s7, s2  }
0x1e: {  	s7 =	smul.u32 @!p0 $0xF7A, s2;
	p2 =	seq.s32 @!p0 s5, $0x0  }
0x1f: {  	s9 =	smul.u32 $0xF7A, s1;
	s8 =	simm.s32 @!p0 $0x1BF5;
	p2 =	por !p2, p0  }
0x20: {  	[sflag:s8] =	ssyncset.s32 @!p0 $0xFFFFF086;
	s6 =	sadd.s32 @!p0 s3, s7;
	s7 =	simm.s32 @!p0 $0x108  }
0x21: {  	s3 =	sadd.s32 s3, s9;
	s6 =	sadd.s32 @!p0 $0x88, s6;
	s7 =	simm.s32 @p2 $0x1082  }
0x22: {  	[simem:s7], [sflag:s8] =	dma.local @!p0 [hbm:s6], $0xF7A  }
0x23: {  	s9 =	sor.u32 $0xD0000000, s2;
	s6 =	simm.s32 $0x108;
	_ =	swait.ge @!p0 [sflag:s8], $0x0  }
0x24: {  	s3 =	sadd.s32 $0x88, s3;
	s6 =	simm.s32 @!p1 $0x1082;
	[sflag:s4] =	ssyncset.s32 $0xFFFFF086  }
0x25: {  	[simem:s6], [sflag:s4] =	dma.local [hbm:s3], $0xF7A  }
0x26: {  	[smem:$0x3F9E] =	sst s1;
	(tag) =	ssettag s2;
	_ =	strace s9  }
0x27: {  	s1 =	sld [smem:$0x3FAE]  }
0x28: {  	s2 =	sld [smem:$0x3FAF]  }
0x29: {  	s4 =	sld [smem:$0x3FB1]  }
0x2a: {  	p0 =	seq.s32 s5, $0x0;
	s5 =	sld [smem:$0x3FB2]  }
0x2b: {  	s6 =	sld [smem:$0x3FB3]  }
0x2c: {  	s7 =	sld [smem:$0x3FB4]  }
0x2d: {  	s3 =	simm.s32 $0x108;
	s8 =	sld [smem:$0x3FB5]  }
0x2e: {  	s3 =	simm.s32 @!p0 $0x1082;
	s9 =	sld [smem:$0x3FB6]  }
0x2f: {  	lr =	sadd.s32 s0, s3;
	s0 =	sld [smem:$0x3FAD]  }
0x30: {  	s3 =	sld [smem:$0x3FB0]  }
0x31: {  	[smem:$0x3FB9] =	sst s10  }
0x32: {  	s10 =	sld [smem:$0x3FB7];
	_ =	sdelay $0x3  }
0x33: {  	p0 =	seq.s32 s10, $0x1;
	s10 =	sld [smem:$0x3FB9];
	_ =	sdelay $0x3  }
0x34: {  	[smem:$0x3FB9] =	sst s10  }
0x35: {  	s10 =	sld [smem:$0x3FB8];
	_ =	sdelay $0x3  }
0x36: {  	p1 =	seq.s32 s10, $0x1;
	s10 =	sld [smem:$0x3FB9];
	_ =	sdelay $0x3  }
0x37: {  	[smem:$0x3FB9] =	sst s10  }
0x38: {  	s10 =	sld [smem:$0x3FBA]  }
0x39: {  	_ = 	snop;
	(pc) =	sbr.ind lr, $3  }
0x3a: {  	_ = 	snop  }
0x3b: {  	_ = 	snop  }
0x3c: {  	p2 =	seq.s32 s10, $0x1;
	s10 =	sld [smem:$0x3FB9]  }
0x3d: {  	_ =	shalt  }
0x3e: {  	_ =	shalt  }
0x3f: {  	_ =	shalt  }
0x40: {  	_ =	shalt  }
0x41: {  	_ =	shalt  }
0x42: {  	_ =	shalt  }
0x43: {  	_ =	shalt  }
0x44: {  	_ =	shalt  }
0x45: {  	_ =	shalt  }
0x46: {  	_ =	shalt  }
0x47: {  	_ =	shalt  }
0x48: {  	_ =	shalt  }
0x49: {  	_ =	shalt  }
0x4a: {  	_ =	shalt  }
0x4b: {  	_ =	shalt  }
0x4c: {  	_ =	shalt  }
0x4d: {  	_ =	shalt  }
0x4e: {  	_ =	shalt  }
0x4f: {  	_ =	shalt  }
0x50: {  	_ =	shalt  }
0x51: {  	_ =	shalt  }
0x52: {  	_ =	shalt  }
0x53: {  	_ =	shalt  }
0x54: {  	_ =	shalt  }
0x55: {  	_ =	shalt  }
0x56: {  	_ =	shalt  }
0x57: {  	_ =	shalt  }
0x58: {  	_ =	shalt  }
0x59: {  	_ =	shalt  }
0x5a: {  	_ =	shalt  }
0x5b: {  	_ =	shalt  }
0x5c: {  	_ =	shalt  }
0x5d: {  	_ =	shalt  }
0x5e: {  	_ =	shalt  }
0x5f: {  	_ =	shalt  }
0x60: {  	_ =	shalt  }
0x61: {  	_ =	shalt  }
0x62: {  	_ =	shalt  }
0x63: {  	_ =	shalt  }
0x64: {  	_ =	shalt  }
0x65: {  	_ =	shalt  }
0x66: {  	_ =	shalt  }
0x67: {  	_ =	shalt  }
0x68: {  	_ =	shalt  }
0x69: {  	_ =	shalt  }
0x6a: {  	_ =	shalt  }
0x6b: {  	_ =	shalt  }
0x6c: {  	_ =	shalt  }
0x6d: {  	_ =	shalt  }
0x6e: {  	_ =	shalt  }
0x6f: {  	_ =	shalt  }
0x70: {  	_ =	shalt  }
0x71: {  	_ =	shalt  }
0x72: {  	_ =	shalt  }
0x73: {  	_ =	shalt  }
0x74: {  	_ =	shalt  }
0x75: {  	_ =	shalt  }
0x76: {  	_ =	shalt  }
0x77: {  	_ =	shalt  }
0x78: {  	_ =	shalt  }
0x79: {  	_ =	shalt  }
0x7a: {  	_ =	shalt  }
0x7b: {  	_ =	shalt  }
0x7c: {  	_ =	shalt  }
0x7d: {  	_ =	shalt  }
0x7e: {  	_ =	shalt  }
0x7f: {  	_ =	shalt  }
0x80: {  	_ =	shalt  }
0x81: {  	_ =	shalt  }
0x82: {  	_ =	shalt  }
0x83: {  	_ =	shalt  }
0x84: {  	_ =	shalt  }
0x85: {  	_ =	shalt  }
0x86: {  	_ =	shalt  }
0x87: {  	_ =	shalt  }
.Lfunc_end0:
.L_simem_size_0:
called_computation.2_lowered:
.L_overlay_start_0:
0x88: {  	s0 =	sld [smem:$0x3FD9]  }
0x89: {  	s1 =	sld [smem:$0x3FFE];
	_ =	sdelay $0x3  }
0x8a: {  	s0 =	sadd.s32 s1, s0  }
0x8b: {  	[smem:$0x3FC5] =	sst s0  }
0x8c: {  	_ = 	snop  }
0x8d: {  	(tm) =	ssettm $0x1  }
0x8e: {  	s14 =	sld [smem:$0x3FFB];
	_ =	sdelay $0x3  }
0x8f: {  	_ =	strace s14  }
0x90: {  	s0 =	sld [smem:$0x3FFC];
	_ =	sdelay $0x3  }
0x91: {  	_ =	strace s0  }
0x92: {  	s0 =	sld [smem:$0x3FFD];
	_ =	sdelay $0x3  }
0x93: {  	_ =	strace s0  }
0x94: {  	_ =	strace $0x8FFFFFFF  }
0x95: {  	s15 =	sld [smem:$0x3FDB];
	_ =	sdelay $0x1  }
0x96: {  	s16 =	simm.s32 $_scs_section_size  }
0x97: {  	s2 =	simm.s32 $_size__tile_overlayer_lowered;
	s3 =	simm.s32 $_tile_overlayer_lowered  }
0x98: {  	s4 =	simm.s32 $0x1BFF;
	s17 =	sshll.u32 s3, $0x1;
	s1 =	sadd.s32 s16, s15  }
0x99: {  	s18 =	simm.s32 $0x0;
	s2 =	sshll.u32 s2, $0x1;
	s3 =	sadd.s32 s17, s1  }
0x9a: {  	[timem:s18], [sflag:s4] =	dma.local [hbm:s3], s2  }
0x9b: {  	_ =	swait.ge [sflag:s4], s2  }
0x9c: {  	s2 =	ssub.s32 $0x0, s2;
	[sflag:s4] =	ssyncset.done $0x0  }
0x9d: {  	[sflag:s4] =	ssyncadd.s32 s2;
	_ =	sdelay $0x1  }
0x9e: {  	s19 =	simm.s32 $0x1B8B  }
0x9f: {  	_ =	swait.ge [sflag:s19], $0x1  }
0xa0: {  	[sflag:s19] =	ssyncset.done $0x0  }
0xa1: {  	s21 =	simm.s32 $0x1B8E;
	s20 =	sld [smem:$0x3FFE];
	[sflag:s19] =	ssyncadd.s32 $0xFFFFFFFF  }
0xa2: {  	s22 =	simm.s32 $execute0_lowered;
	[smem:$0x3FD2] =	sst s21  }
0xa3: {  	s3 =	sshll.u32 s22, $0x1;
	_ =	strace $0x80000052;
	[dreg:$0x1] =	wrdreg $0xFFFFFFFF  }
0xa4: {  	s23 =	simm.s32 $_size_execute0_lowered;
	s3 =	sadd.s32 s1, s3;
	[dreg:$0x0] =	wrdreg $0x0  }
0xa5: {  	s4 =	sshll.u32 s23, $0x1;
	[dreg:$0x2] =	wrdreg s3  }
0xa6: {  	[dreg:$0x3] =	wrdreg s4  }
0xa7: {  	[dreg:$0x4] =	wrdreg $0xC0  }
0xa8: {  	s24 =	simm.s32 $execute1_lowered;
	_ =	task [dreg:s18], $0x5FFFF  }
0xa9: {  	s3 =	sshll.u32 s24, $0x1;
	[dreg:$0x1] =	wrdreg $0xFFFFFFFF  }
0xaa: {  	s1 =	sadd.s32 s1, s3;
	[dreg:$0x0] =	wrdreg $0x60  }
0xab: {  	[dreg:$0x2] =	wrdreg s1  }
0xac: {  	[dreg:$0x3] =	wrdreg s20  }
0xad: {  	[dreg:$0x4] =	wrdreg $0xB  }
0xae: {  	_ =	task.clear_ibuf [dreg:s18], $0x5FFFF;
	_ =	strace $0x90000052  }
0xaf: {  	s25 =	simm.s32 $0xB;
	_ =	strace $0x80000054  }
0xb0: {  	_ =	swait.ge [sflag:s25], $0x1  }
0xb1: {  	[sflag:s25] =	ssyncadd.s32 $0xFFFFFFFF  }
0xb2: {  	_ =	strace $0x90000054  }
0xb3: {  	_ =	strace $0x80000055;
	[dreg:$0x1] =	wrdreg $0xFFFFFFFF  }
0xb4: {  	[dreg:$0x0] =	wrdreg $0x2030  }
0xb5: {  	[dreg:$0x2] =	wrdreg s20  }
0xb6: {  	[dreg:$0x3] =	wrdreg $0xC  }
0xb7: {  	_ =	task.clear_ibuf [dreg:s18], $0x4FFFF;
	_ =	strace $0x90000055  }
0xb8: {  	s26 =	simm.s32 $0xC;
	_ =	strace $0x80000057  }
0xb9: {  	_ =	swait.ge [sflag:s26], $0x1  }
0xba: {  	[sflag:s26] =	ssyncadd.s32 $0xFFFFFFFF  }
0xbb: {  	_ =	strace $0x90000057  }
0xbc: {  	_ =	sfence  }
0xbd: {  	s28 =	sld [smem:$0x0];
	_ =	sdelay $0x1  }
0xbe: {  	s29 =	srdreg.scid  }
0xbf: {  	s30 =	sshll.u32 s29, $0xD;
	s31 =	sshrl.u32 s29, $0x2  }
0xc0: {  	s2 =	sand.u32 $0x1, s29;
	s3 =	sand.u32 $0x4000, s30;
	s1 =	sadd.s32 s31, s28  }
0xc1: {  	s2 =	sor.u32 s3, s2;
	s1 =	sshll.u32 s1, $0x11  }
0xc2: {  	s1 =	sor.u32 s1, s2  }
0xc3: {  	s1 =	sadd.s32 $0x8F2B, s1  }
0xc4: {  	[sflag:s1] =	ssyncadd.remote.s32 $0x1  }
0xc5: {  	_ =	sfence.sel $0xFFFF  }
0xc6: {  	[dreg:$0x0] =	wrdreg $0xFFFFFFFF;
	(pc) =	sbr.abs _section_cstart, $3  }
0xc7: {  	[dreg:$0x1] =	wrdreg $0xFFFFFFFF  }
0xc8: {  	_ =	task.clear_ibuf [dreg:s18], $0x2FFFF;
	_ =	strace $0x9FFFFFFF  }
0xc9: {  	(tm) =	ssettm $0x7FFFFFFF  }
tec
execute0_lowered:
.L_overlay_start_1:
0x0: {  	(tag) =	ssettag $0x1  }
0x1: {  	s2 =	rddreg [dreg:$0x0]  }
0x2: {  	s4 =	rddreg [dreg:$0x1]  }
0x3: {  	s0 =	rddreg [dreg:$0x2]  }
0x4: {  	s3 =	stileid.u32;
	[bflag:$0x3] =	sbarrier.arrive $0xFFFF;
	s1 =	simm.s32 $_size_execute1_lowered  }
0x5: {  	s8 =	simm.s32 $0x2;
	s9 =	simm.s32 $0x0;
	p0 =	sne.s32 s3, $0x0  }
0x6: {  	s1 =	sshll.u32 s1, $0x1;
	s5 =	simm.s32 @!p0 $0x1C3F;
	s6 =	simm.s32 @!p0 $0x4060  }
0x7: {  	[timem:s6], [sflag:s5] =	dma.local @!p0 [hbm:s2], s1  }
0x8: {  	s11 =	simm.s32 $0x0;
	s10 =	simm.s32 $0x0;
	s2 =	sshll.u32 s3, $0x9  }
0x9: {  	s3 =	sshll.u32 s3, $0x6;
	_ =	strace $0x80000053;
	s30 =	ssub.s32 $0x2000, s2  }
.Ltmp0:
0xa: {  	s31 =	sadd.s32 s3, s4;
	s7 =	sand.u32 $0x1E00, s30;
	(pc) =	sbr.rel .LBB2_1-.Ltmp0, $4  }
0xb: {  	s3 =	simm.s32 $0x1;
	p1 =	sne.s32 s7, $0x0;
	s7 =	simm.s32 $0x1  }
0xc: {  	s4 =	sadd.s32 $0x2C00, s4;
	s5 =	sshrl.u32 s30, $0xD;
	s7 =	simm.s32 @!p1 $0x0  }
0xd: {  	[sflag:s3] =	ssyncpa.u1 $0x0;
	s6 =	sadd.s32 $0x2800, s31;
	s5 =	sadd.s32 s7, s5  }
0xe: {  	[sflag:s8] =	ssyncpa.u1 $0x0;
	s8 =	simm.s32 $0x0;
	s7 =	sadd.s32 $0x1, s5  }
.LBB2_3:
0xf: {  	p2 =	sne.s32 s10, s7  }
.Ltmp1:
0x10: {  	p1 =	slt.u32 s10, $0x2;
	(pc) =	sbr.rel @!p2 .LBB2_4-.Ltmp1, $4  }
0x11: {  	s11 =	simm.s32 @!p1 $0x2  }
0x12: {  	_ =	swait.ge @!p1 [sflag:s11], $0x200  }
0x13: {  	s9 =	sadd.s32 $0x200, s9;
	[sflag:s11] =	ssyncset.done @!p1 $0x0  }
0x14: {  	s10 =	sadd.s32 $0x1, s10;
	[sflag:s11] =	ssyncadd.s32 @!p1 $0xFFFFFE00;
	s11 =	smov.u32 s2  }
.LBB2_1:
0x15: {  	p1 =	sge.u32 s10, s5  }
0x16: {  	s12 =	sxor.u32 @!p1 $0xFFFFFFFF, s9  }
0x17: {  	s31 =	sadd.s32 $0xFFFFFFFF, s10;
	s13 =	simm.s32 @!p1 $0x0;
	s12 =	sand.u32 @!p1 $0x200, s12  }
0x18: {  	[tilespmem:s12], [sflag:$0x1] =	stream.linear.gather @!p1 [hbm4b:s6+s13], $0x200, $0x38;
	[tilespmem:$0x800] =	vst v63  }
0x19: {  	p1 =	sge.u32 s31, s5  }
.Ltmp2:
0x1a: {  	_ = 	snop;
	(pc) =	sbr.rel @p1 .LBB2_3-.Ltmp2, $1  }
0x1b: {  	_ =	sdelay $0x3  }
0x1c: {  	_ =	swait.ge [sflag:s3], $0x200  }
0x1d: {  	[sflag:s3] =	ssyncset.done $0x0  }
0x1e: {  	s12 =	sand.u32 $0x200, s9;
	[sflag:s3] =	ssyncadd.s32 $0xFFFFFE00  }
0x1f: {  	v0 =	vld [tilespmem:s12+$0x0]  }
0x20: {  	v1 =	vld [tilespmem:s12+$0x10]  }
0x21: {  	v2 =	vld [tilespmem:s12+$0x20]  }
0x22: {  	v3 =	vld [tilespmem:s12+$0x30]  }
0x23: {  	v4 =	vld [tilespmem:s12+$0x40]  }
0x24: {  	v37 =	vld [tilespmem:s12+$0x50];
	[tilespmem:s12+$0x400] =	vst v0  }
0x25: {  	v38 =	vld [tilespmem:s12+$0x60];
	[tilespmem:s12+$0x410] =	vst v1  }
0x26: {  	v39 =	vld [tilespmem:s12+$0x70];
	[tilespmem:s12+$0x420] =	vst v2  }
0x27: {  	v40 =	vld [tilespmem:s12+$0x80];
	[tilespmem:s12+$0x430] =	vst v3  }
0x28: {  	v41 =	vld [tilespmem:s12+$0x90];
	[tilespmem:s12+$0x440] =	vst v4  }
0x29: {  	v42 =	vld [tilespmem:s12+$0xA0];
	[tilespmem:s12+$0x450] =	vst v37  }
0x2a: {  	v43 =	vld [tilespmem:s12+$0xB0];
	[tilespmem:s12+$0x460] =	vst v38  }
0x2b: {  	v44 =	vld [tilespmem:s12+$0xC0];
	[tilespmem:s12+$0x470] =	vst v39  }
0x2c: {  	v45 =	vld [tilespmem:s12+$0xD0];
	[tilespmem:s12+$0x480] =	vst v40  }
0x2d: {  	v46 =	vld [tilespmem:s12+$0xE0];
	[tilespmem:s12+$0x490] =	vst v41  }
0x2e: {  	v47 =	vld [tilespmem:s12+$0xF0];
	[tilespmem:s12+$0x4A0] =	vst v42  }
0x2f: {  	v48 =	vld [tilespmem:s12+$0x100];
	[tilespmem:s12+$0x4B0] =	vst v43  }
0x30: {  	v49 =	vld [tilespmem:s12+$0x110];
	[tilespmem:s12+$0x4C0] =	vst v44  }
0x31: {  	v50 =	vld [tilespmem:s12+$0x120];
	[tilespmem:s12+$0x4D0] =	vst v45  }
0x32: {  	v51 =	vld [tilespmem:s12+$0x130];
	[tilespmem:s12+$0x4E0] =	vst v46  }
0x33: {  	v52 =	vld [tilespmem:s12+$0x140];
	[tilespmem:s12+$0x4F0] =	vst v47  }
0x34: {  	v53 =	vld [tilespmem:s12+$0x150];
	[tilespmem:s12+$0x500] =	vst v48  }
0x35: {  	v54 =	vld [tilespmem:s12+$0x160];
	[tilespmem:s12+$0x510] =	vst v49  }
0x36: {  	v55 =	vld [tilespmem:s12+$0x170];
	[tilespmem:s12+$0x520] =	vst v50  }
0x37: {  	v56 =	vld [tilespmem:s12+$0x180];
	[tilespmem:s12+$0x530] =	vst v51  }
0x38: {  	v57 =	vld [tilespmem:s12+$0x190];
	[tilespmem:s12+$0x540] =	vst v52  }
0x39: {  	v58 =	vld [tilespmem:s12+$0x1A0];
	[tilespmem:s12+$0x550] =	vst v53  }
0x3a: {  	v59 =	vld [tilespmem:s12+$0x1B0];
	[tilespmem:s12+$0x560] =	vst v54  }
0x3b: {  	v60 =	vld [tilespmem:s12+$0x1C0];
	[tilespmem:s12+$0x570] =	vst v55  }
0x3c: {  	v61 =	vld [tilespmem:s12+$0x1D0];
	[tilespmem:s12+$0x580] =	vst v56  }
0x3d: {  	v62 =	vld [tilespmem:s12+$0x1E0];
	[tilespmem:s12+$0x590] =	vst v57  }
0x3e: {  	v63 =	vld [tilespmem:s12+$0x1F0];
	[tilespmem:s12+$0x5A0] =	vst v58  }
0x3f: {  	[tilespmem:s12+$0x5B0] =	vst v59  }
.Ltmp3:
0x40: {  	[tilespmem:s12+$0x5C0] =	vst v60;
	(pc) =	sbr.rel .LBB2_3-.Ltmp3, $4  }
0x41: {  	[tilespmem:s12+$0x5D0] =	vst v61  }
0x42: {  	s11 =	sshrl.u32 s11, $0x3;
	[tilespmem:s12+$0x5E0] =	vst v62  }
0x43: {  	s13 =	sor.u32 $0x400, s12;
	s11 =	sadd.s32 s4, s11;
	[tilespmem:s12+$0x5F0] =	vst v63  }
0x44: {  	[hbm4b:s11+s8] =	stream.linear.scatter [tilespmem:s13], [sflag:$0x2], $0x200, $0x38;
	[tilespmem:$0x800] =	vst v63  }
.LBB2_4:
0x45: {  	_ =	sfence.sel $0x180000  }
0x46: {  	s2 =	simm.s32 $0x1;
	[bflag:$0x0] =	sbarrier.arrive $0xFFFF  }
0x47: {  	s31 =	simm.s32 $0x2;
	[sflag:s2] =	ssyncpa.u1 $0x1  }
0x48: {  	[sflag:s31] =	ssyncpa.u1 $0x1  }
0x49: {  	_ =	strace $0x90000053  }
0x4a: {  	s0 =	sadd.s32 @!p0 $0x100000, s0;
	[bflag:$0x2] =	sbarrier.arrive $0xFFFF  }
0x4b: {  	[sflag:s0] =	ssyncadd.tile.s32 @!p0 $0x1;
	s0 =	simm.s32 @!p0 $0x3F  }
0x4c: {  	_ =	swait.ge @!p0 [sflag:s0], s1  }
0x4d: {  	s1 =	ssub.s32 @!p0 $0x0, s1;
	[sflag:s0] =	ssyncset.done @!p0 $0x0  }
0x4e: {  	[sflag:s0] =	ssyncadd.s32 @!p0 s1  }
0x4f: {  	[bflag:$0x3] =	sbarrier.arrive $0xFFFF  }
0x50: {  	_ =	shalt  }
.Lfunc_end2:
execute1_lowered:
.L_overlay_start_2:
0x51: {  	(tag) =	ssettag $0x2  }
0x52: {  	s0 =	rddreg [dreg:$0x0];
	_ =	strace $0x80000056;
	s3 =	simm.s32 $0x1  }
0x53: {  	v1 =	vimm.s32 $0xFFFFFFFF;
	[sflag:s3] =	ssyncpa.u1 $0x0  }
0x54: {  	[tilespmem:$0x10] =	vst v1  }
0x55: {  	v0 =	vimm.f32 $0.0e+00;
	[tilespmem:$0x20] =	vst v1  }
0x56: {  	[tilespmem:$0x30] =	vst v0  }
0x57: {  	s2 =	simm.s32 $0x2;
	s6 =	simm.s32 $0x7;
	s26 =	stileid.u32;
	[tilespmem:$0x40] =	vst v0  }
0x58: {  	s7 =	simm.s32 $0x8;
	s31 =	simm.s32 $0x9;
	s14 =	simm.s32 $0x0;
	[tilespmem:$0x50] =	vst v0  }
0x59: {  	s15 =	simm.s32 $0x100;
	s18 =	simm.s32 $0x10;
	s19 =	simm.s32 $0x2500;
	[tilespmem:$0x60] =	vst v1  }
0x5a: {  	s20 =	simm.s32 $0xF;
	s21 =	simm.s32 $0x50;
	s22 =	simm.s32 $0x10FF;
	[tilespmem:$0x70] =	vst v1  }
0x5b: {  	s23 =	simm.s32 $0x20;
	s24 =	simm.s32 $0x30;
	s25 =	simm.s32 $0x20FF;
	[tilespmem:$0x80] =	vst v1  }
0x5c: {  	s30 =	simm.s32 $0x0;
	s29 =	simm.s32 $0x0;
	s1 =	sadd.s32 $0x2C00, s0;
	v1 =	vimm.s32 $0x0;
	[tilespmem:$0xB0] =	vst v0  }
.Ltmp4:
0x5d: {  	s4 =	sadd.s32 $0x800, s0;
	s5 =	sadd.s32 $0x3800, s0;
	[tilespmem:$0x90] =	vst v1;
	(pc) =	sbr.rel .LBB3_1-.Ltmp4, $4  }
0x5e: {  	s8 =	sshll.u32 s26, $0xA;
	s10 =	sshll.u32 s26, $0x1;
	[tilespmem:$0xA0] =	vst v1;
	[sflag:s2] =	ssyncpa.u1 $0x0  }
0x5f: {  	s12 =	sshllo.u32 s26, $0x1;
	s26 =	simm.s32 $0x80;
	[sflag:s6] =	ssyncpa.u1 $0x0  }
0x60: {  	vm0 =	vmmov $0xffff;
	v2 =	vlaneseq.u32;
	s9 =	sadd.s32 $0x400, s8;
	s11 =	sor.u32 $0x81, s10;
	[sflag:s7] =	ssyncpa.u1 $0x0  }
0x61: {  	vm1 =	vmxor vm1, vm1;
	vm2 =	vmmov $0x1;
	vm3 =	vcmask $0x3F3C;
	s13 =	sor.u32 $0x80, s10;
	s28 =	smov.u32 s8;
	[sflag:s31] =	ssyncpa.u1 $0x0  }
.LBB3_3:
0x62: {  	s0 =	sshrl.u32 s28, $0x3  }
0x63: {  	s2 =	sand.u32 $0x7, s28;
	s0 =	sadd.s32 s4, s0  }
0x64: {  	[tilespmem:s15], [sflag:$0x7] =	stream.linear.gather [hbm4b:s0+s2], $0x400, $0x38;
	[tilespmem:$0x2520] =	vst v63  }
.LBB3_4:
0x65: {  	s0 =	sadd.s32 $0x400, s28  }
0x66: {  	s2 =	smov.u32 s8;
	s29 =	sadd.s32 $0x1, s29;
	p0 =	slt.s32 s0, s9  }
0x67: {  	s2 =	smov.u32 @p0 s0;
	p0 =	sne.s32 s29, $0x4  }
.Ltmp5:
0x68: {  	_ = 	snop;
	(pc) =	sbr.rel @!p0 .LBB3_13-.Ltmp5, $2  }
0x69: {  	_ =	sdelay $0x2  }
0x6a: {  	s30 =	smov.u32 s28;
	s28 =	smov.u32 s2  }
.LBB3_1:
0x6b: {  	p0 =	sgt.s32 s29, $0x1  }
.Ltmp6:
0x6c: {  	_ = 	snop;
	(pc) =	sbr.rel @p0 .LBB3_11-.Ltmp6, $1  }
0x6d: {  	_ =	sdelay $0x3  }
0x6e: {  	p0 =	seq.s32 s29, $0x0  }
.Ltmp7:
0x6f: {  	_ = 	snop;
	(pc) =	sbr.rel @p0 .LBB3_3-.Ltmp7, $1  }
0x70: {  	_ =	sdelay $0x3  }
0x71: {  	_ =	swait.ge [sflag:s6], $0x400  }
0x72: {  	[sflag:s6] =	ssyncset.done $0x0  }
0x73: {  	[sflag:s6] =	ssyncadd.s32 $0xFFFFFC00;
	(ifvalue) =	ssetifvalue $0xFFFFFFFF;
	v3 =	vld.msk [tilespmem:s15+$0x0 ss:$0x1], $0xffff;
	_ =	sdelay $0x4  }
0x74: {  	v4 =	vperm.xlane v3, v1  }
0x75: {  	vm4 =	vlt.u32 v3, $0x2000  }
0x76: {  	v3 =	vnsel vm4, $0xFFFFFFFE, v3;
	vm4 =	vlt.u32 v4, $0x2000  }
0x77: {  	[tilespmem:$0x70] =	vst v3;
	v3 =	vnsel vm4, $0xFFFFFFFE, v4  }
0x78: {  	s17 =	simm.s32 $0x4F0;
	[tilespmem:$0x80] =	vst v3  }
0x79: {  	v3 =	vld.msk [tilespmem:s17+$0x0 ss:$0x1], $0xffff;
	_ =	sdelay $0x4  }
0x7a: {  	(xrf1) =	vunique.msk.u32 $0xffff, v3;
	_ =	sdelay $0xd  }
0x7b: {  	v4 =	vimm.s32 $0xFFFFFFFF;
	v5, _, _ =	vpop (xrf1)  }
0x7c: {  	vm5 =	vne.s32 v3, v4;
	vm4 =	veq.s32 v5, v2  }
0x7d: {  	vm6 =	vlt.u32 v3, $0x2000;
	vm4 =	vmand vm5, vm4  }
0x7e: {  	vm4 =	vmand vm6, vm4  }
0x7f: {  	v4 =	vnsel vm4, $0xFFFFFFFF, v3;
	_ =	sdelay $0x3  }
0x80: {  	s0 =	simm.s32 $0x10F0;
	(ifvalue) =	ssetifvalue $0xFFFFFFFF  }
0x81: {  	v3 =	vperm.xlane v3, v1;
	[tilespmem:s0], [sflag:$0x8] =	stream.indirect_vreg.gather [hbm4b:s1+s14], $0x1, v4, vm0, $0x4038;
	v4 =	vnsel vm6, $0xFFFFFFFE, v4;
	[tilespmem:$0x2520] =	vst v63  }
0x82: {  	s2 =	simm.s32 $0x0;
	s16 =	simm.s32 $0x4E0;
	[tilespmem:s17+$0x0] =	vst v4  }
.LBB3_6:
0x83: {  	v4 =	vld.msk [tilespmem:s16+$0x0 ss:$0x1], $0xffff;
	s2 =	sadd.s32 $0x10, s2;
	v5 =	vmov v3;
	s17 =	smov.u32 s16  }
0x84: {  	p0 =	slt.u32 s2, $0x3F0;
	_ =	sdelay $0x4  }
0x85: {  	v3 =	vperm.xlane v4, v1;
	(xrf1) =	vunique.msk.u32 $0xffff, v4;
	_ =	sdelay $0xd  }
0x86: {  	v6, _, _ =	vpop (xrf1)  }
0x87: {  	vm5 =	vne.s32 v4, v5;
	vm4 =	veq.s32 v6, v2  }
0x88: {  	vm6 =	vlt.u32 v4, $0x2000;
	vm4 =	vmand vm5, vm4  }
0x89: {  	vm4 =	vmand vm6, vm4  }
0x8a: {  	v4 =	vnsel vm4, $0xFFFFFFFF, v4  }
.Ltmp8:
0x8b: {  	v5 =	vnsel vm6, $0xFFFFFFFE, v4;
	(pc) =	sbr.rel @p0 .LBB3_6-.Ltmp8, $3  }
0x8c: {  	_ =	sdelay $0x1  }
0x8d: {  	s16 =	sadd.s32 $0xFFFFFFF0, s16;
	s0 =	sadd.s32 $0xFFFFFFF0, s0;
	(ifvalue) =	ssetifvalue $0xFFFFFFFF  }
0x8e: {  	[tilespmem:s0], [sflag:$0x8] =	stream.indirect_vreg.gather [hbm4b:s1+s14], $0x1, v4, vm0, $0x4038;
	[tilespmem:s17+$0x0] =	vst v5  }
.Ltmp9:
0x8f: {  	(pc) =	sbr.rel .LBB3_4-.Ltmp9, $4  }
0x90: {  	_ = 	snop  }
0x91: {  	s0 =	sshrl.u32 s30, $0x3  }
0x92: {  	s2 =	simm.s32 $0x1500;
	s0 =	sadd.s32 s5, s0  }
0x93: {  	[tilespmem:s2], [sflag:$0x8] =	stream.linear.gather [hbm:s0], $0x400, $0x38;
	[tilespmem:$0x2520] =	vst v63  }
.LBB3_11:
0x94: {  	p0 =	seq.s32 s29, $0x2  }
.Ltmp10:
0x95: {  	_ = 	snop;
	(pc) =	sbr.rel @!p0 .LBB3_12-.Ltmp10, $1  }
0x96: {  	_ =	sdelay $0x3  }
0x97: {  	_ =	swait.ge [sflag:s7], $0x800  }
0x98: {  	[sflag:s7] =	ssyncset.done $0x0  }
0x99: {  	s0 =	simm.s32 $0x4FF;
	[sflag:s7] =	ssyncadd.s32 $0xFFFFF800  }
0x9a: {  	[spmem:s11] =	stream.linear.scatter [tilespmem:s0], [sflag:$0x1], $0x1, $0x38;
	[tilespmem:$0x2520] =	vst v63  }
0x9b: {  	_ =	swait.ge [sflag:s3], $0x1  }
0x9c: {  	[sflag:s3] =	ssyncset.done $0x0  }
0x9d: {  	[sflag:s3] =	ssyncadd.s32 $0xFFFFFFFF  }
0x9e: {  	v4 =	vld [tilespmem:$0x10]  }
0x9f: {  	v5 =	vld [tilespmem:$0x70]  }
0xa0: {  	v3 =	vld [tilespmem:$0x80];
	_ =	sdelay $0x2  }
0xa1: {  	(v2sf) =	vpush v4, $0x0  }
0xa2: {  	(v2sf) =	vpush v5, $0x0  }
0xa3: {  	(v2sf) =	vpush v3, $0x0;
	_ =	sdelay $0xc  }
0xa4: {  	s16 =	spop (v2sf)  }
0xa5: {  	s2 =	spop (v2sf)  }
0xa6: {  	s30 =	spop (v2sf)  }
0xa7: {  	p0 =	seq.s32 s16, s2;
	p1 =	seq.s32 s30, s16  }
0xa8: {  	p1 =	por p0, p1  }
0xa9: {  	v4 =	vpsel p1, $0xFFFFFFFF, v4  }
0xaa: {  	[tilespmem:s18+$0x0] =	vst.msk $0x1, v4  }
0xab: {  	v4 =	vld [tilespmem:$0x30]  }
0xac: {  	v5 =	vld [tilespmem:$0x1500]  }
0xad: {  	v6 =	vld [tilespmem:$0x40];
	_ =	sdelay $0x3  }
0xae: {  	vm4 =	vmmov vm1;
	v5 =	vadd.f32 v5, v4  }
0xaf: {  	vm5 =	vmmov vm2;
	s31 =	simm.s32 $0x1500;
	vm4 =	vmmov @p0 vm2;
	v4 =	vadd.f32 v6, v4  }
0xb0: {  	vm5 =	vmmov @p1 vm1;
	[tilespmem:s31+$0x0] =	vst.msk vm4, v5  }
0xb1: {  	[tilespmem:s19+$0x0] =	vst.msk vm5, v4  }
0xb2: {  	v4 =	vld [tilespmem:$0x10F0];
	_ =	sdelay $0x3  }
0xb3: {  	v5 =	vimm.f32 $0.0e+00  }
0xb4: {  	v4 =	vshift.insert v4, v5, s20;
	_ =	sdelay $0x1  }
0xb5: {  	[tilespmem:s21+$0x0] =	vst.msk $0x1, v4  }
0xb6: {  	[tilespmem:s22+$0x0] =	vst.msk $0x1, v5  }
0xb7: {  	v4 =	vld [tilespmem:$0x4F0];
	_ =	sdelay $0x4  }
0xb8: {  	v4 =	vshift.insert v4, v1, s20;
	_ =	sdelay $0x1  }
0xb9: {  	[tilespmem:s23+$0x0] =	vst.msk $0x1, v4  }
0xba: {  	s17 =	simm.s32 $0x100;
	v6 =	vld [tilespmem:s31+$0x0]  }
0xbb: {  	v7 =	vld [tilespmem:s17+$0x0];
	_ =	sdelay $0x3  }
0xbc: {  	v5 =	vadd.f32 v6, v5  }
0xbd: {  	vm4 =	vne.s32 v7, $0xFFFFFFFF  }
0xbe: {  	(xrf2) =	vadd.seg.scan.f32 vm4, v5;
	_ =	sdelay $0x3  }
0xbf: {  	s0 =	simm.s32 $0xD00;
	v5 =	vperm.xlane v4, v1  }
0xc0: {  	v6 =	vld [tilespmem:s0+$0x0]  }
0xc1: {  	vm5 =	veq.s32 v7, v3;
	vm6 =	veq.s32 v7, v5  }
0xc2: {  	vm7 =	vgt.u32 v7, $0xFFFFFFFD;
	vm6 =	vmor vm6, vm5  }
0xc3: {  	vm6 =	vmor vm6, vm7  }
0xc4: {  	v9 =	vld [tilespmem:$0xA0];
	v7 =	vsel vm6, $0xFFFFFFFF, v7  }
0xc5: {  	v10 =	vld [tilespmem:$0x90];
	v6 =	vsel vm5, $0x0, v6;
	v8, _, _ =	vpop (xrf2)  }
0xc6: {  	v6 =	vadd.f32 v8, v6  }
0xc7: {  	s2 =	simm.s32 $0x1D00  }
0xc8: {  	vm4 =	vmand vm4, vm3;
	[tilespmem:s2+$0x0] =	vst v6;
	(ifvalue) =	ssetifvalue $0xFFFFFFFF  }
0xc9: {  	vm6 =	veq.s32 v9, $0x1;
	[hbm4b:s1+s14] =	stream.indirect_vreg.scatter [tilespmem:s2], [sflag:$0x2], $0x1, v7, vm0, $0x4038;
	v7 =	vsel vm4, $0x0, v8;
	[tilespmem:$0x2520] =	vst v63  }
0xca: {  	s16 =	simm.s32 $0x0;
	s17 =	simm.s32 $0x110;
	vm4 =	vmor vm6, vm5;
	v6 =	vsel vm5, v8, v10;
	v7 =	vshift.insert v7, v0, s20  }
.LBB3_9:
0xcb: {  	v8 =	vld [tilespmem:s17+$0x0];
	s31 =	sadd.s32 $0x10, s31  }
0xcc: {  	s0 =	sadd.s32 $0x10, s0;
	v9 =	vld [tilespmem:s31+$0x0]  }
0xcd: {  	s16 =	sadd.s32 $0x10, s16;
	v10 =	vld [tilespmem:s0+$0x0]  }
0xce: {  	p0 =	slt.u32 s16, $0x3F0;
	_ =	sdelay $0x2  }
0xcf: {  	v7 =	vadd.f32 v9, v7  }
0xd0: {  	vm5 =	vne.s32 v8, $0xFFFFFFFF  }
0xd1: {  	vm6 =	vmand vm5, vm3;
	(xrf2) =	vadd.seg.scan.f32 vm5, v7;
	_ =	sdelay $0x5  }
0xd2: {  	vm7 =	veq.s32 v8, v5;
	vm5 =	veq.s32 v8, v3  }
0xd3: {  	vm8 =	vgt.u32 v8, $0xFFFFFFFD;
	vm4 =	vmor vm4, vm5;
	vm7 =	vmor vm7, vm5  }
0xd4: {  	vm7 =	vmor vm7, vm8  }
0xd5: {  	v8 =	vsel vm7, $0xFFFFFFFF, v8  }
.Ltmp11:
0xd6: {  	v7 =	vsel vm5, $0x0, v10;
	v9, _, _ =	vpop (xrf2);
	(pc) =	sbr.rel @p0 .LBB3_9-.Ltmp11, $4  }
0xd7: {  	v6 =	vsel vm5, v9, v6;
	v10 =	vadd.f32 v9, v7;
	v7 =	vsel vm6, $0x0, v9  }
0xd8: {  	s2 =	sadd.s32 $0x10, s2;
	v7 =	vshift.insert v7, v0, s20  }
0xd9: {  	s17 =	sadd.s32 $0x10, s17;
	[tilespmem:s2+$0x0] =	vst v10;
	(ifvalue) =	ssetifvalue $0xFFFFFFFF  }
0xda: {  	[hbm4b:s1+s14] =	stream.indirect_vreg.scatter [tilespmem:s2], [sflag:$0x2], $0x1, v8, vm0, $0x4038;
	[tilespmem:$0x2520] =	vst v63  }
0xdb: {  	v3 =	vld [tilespmem:$0x20F0];
	_ =	sdelay $0x4  }
0xdc: {  	v3 =	vshift.insert v3, v0, s20;
	_ =	sdelay $0x1  }
0xdd: {  	[tilespmem:s24+$0x0] =	vst.msk $0x1, v3  }
0xde: {  	v3 =	vsel vm4, $0x1, v1;
	[tilespmem:$0x90] =	vst v6  }
0xdf: {  	[tilespmem:$0xA0] =	vst v3  }
0xe0: {  	[spmem:s12] =	stream.linear.scatter [tilespmem:s25], [sflag:$0x1], $0x1, $0x38;
	[tilespmem:$0x2520] =	vst v63  }
0xe1: {  	v3 =	vmctz.xlane vm4;
	_ =	swait.ge [sflag:s3], $0x1  }
0xe2: {  	(v2sf) =	vpush v4, $0x0  }
0xe3: {  	(v2sf) =	vpush v3, $0x0;
	_ =	sdelay $0xd  }
0xe4: {  	s0 =	spop (v2sf)  }
0xe5: {  	s2 =	spop (v2sf)  }
0xe6: {  	[sflag:s3] =	ssyncset.done $0x0;
	p0 =	sne.s32 s30, s0;
	p1 =	slt.s32 s2, $0xF  }
0xe7: {  	[sflag:s3] =	ssyncadd.s32 $0xFFFFFFFF;
	v3 =	vimm.s32 @!p0 $0xFFFFFFFF;
	s2 =	simm.s32 @!p1 $0xF  }
0xe8: {  	[tilespmem:$0x80] =	vst @!p0 v3;
	s31 =	sadd.s32 $0x90, s2  }
0xe9: {  	[spmem:s10] =	stream.linear.scatter [tilespmem:s31], [sflag:$0x1], $0x1, $0x38;
	[tilespmem:$0x2520] =	vst v63  }
0xea: {  	_ =	swait.ge [sflag:s3], $0x1  }
0xeb: {  	[sflag:s3] =	ssyncset.done $0x0  }
0xec: {  	[sflag:s3] =	ssyncadd.s32 $0xFFFFFFFF  }
0xed: {  	[spmem:s13] =	stream.linear.scatter [tilespmem:s26], [sflag:$0x1], $0x1, $0x38;
	[tilespmem:$0x2520] =	vst v63  }
0xee: {  	_ =	swait.ge [sflag:s3], $0x1  }
0xef: {  	[sflag:s3] =	ssyncset.done $0x0  }
0xf0: {  	[sflag:s3] =	ssyncadd.s32 $0xFFFFFFFF;
	(ifvalue) =	ssetifvalue $0xFFFFFFFF;
	v3 =	vld [tilespmem:$0x10];
	_ =	sdelay $0x3  }
.Ltmp12:
0xf1: {  	_ = 	snop;
	(pc) =	sbr.rel .LBB3_4-.Ltmp12, $3  }
0xf2: {  	_ =	sdelay $0x1  }
0xf3: {  	(ifvalue) =	ssetifvalue $0xFFFFFFFF  }
0xf4: {  	[hbm4b:s1+s14] =	stream.indirect_vreg.scatter [tilespmem:s19], [sflag:$0x9], $0x1, v3, vm0, $0x4038;
	[tilespmem:$0x2520] =	vst v63  }
.LBB3_12:
0xf5: {  	s0 =	simm.s32 $0x2  }
0xf6: {  	_ =	swait.ge [sflag:s0], $0x400  }
0xf7: {  	[sflag:s0] =	ssyncset.done $0x0  }
0xf8: {  	s31 =	simm.s32 $0x9;
	[sflag:s0] =	ssyncadd.s32 $0xFFFFFC00  }
0xf9: {  	_ =	swait.ge [sflag:s31], $0x10  }
0xfa: {  	[sflag:s31] =	ssyncset.done $0x0  }
0xfb: {  	[sflag:s31] =	ssyncadd.s32 $0xFFFFFFF0  }
.LBB3_13:
0xfc: {  	_ =	sfence.sel $0x180000  }
0xfd: {  	s0 =	simm.s32 $0x7;
	[bflag:$0x0] =	sbarrier.arrive $0xFFFF  }
0xfe: {  	s26 =	simm.s32 $0x8;
	[sflag:s0] =	ssyncpa.u1 $0x1  }
0xff: {  	s28 =	simm.s32 $0x9;
	[sflag:s26] =	ssyncpa.u1 $0x1  }
0x100: {  	[sflag:s28] =	ssyncpa.u1 $0x1  }
0x101: {  	_ =	sfence.stream.spmem  }
0x102: {  	s29 =	simm.s32 $0x3;
	[bflag:$0x0] =	sbarrier.arrive $0xFFFF  }
0x103: {  	s30 =	simm.s32 $0x4;
	[sflag:s29] =	ssyncpa.u1 $0x1  }
0x104: {  	s31 =	simm.s32 $0x3C;
	s2 =	stileid.u32;
	[sflag:s30] =	ssyncpa.u1 $0x1  }
0x105: {  	p0 =	sne.s32 s2, $0x0;
	[sflag:s31] =	ssyncpa.u1 $0x1  }
0x106: {  	s0 =	simm.s32 @p0 $0x1;
	_ =	sfence @p0  }
0x107: {  	[sflag:s0] =	ssyncpa.u1 @p0 $0x1;
	s0 =	simm.s32 @p0 $0x2  }
0x108: {  	[sflag:s0] =	ssyncpa.u1 @p0 $0x1  }
0x109: {  	_ =	strace @p0 $0x90000056  }
0x10a: {  	[bflag:$0x2] =	sbarrier.arrive @p0 $0xFFFF  }
0x10b: {  	_ =	shalt @p0  }
.LBB3_14:
0x10c: {  	_ =	sfence.stream.spmem;
	s0 =	simm.s32 $0x5  }
0x10d: {  	s2 =	simm.s32 $0x80;
	s3 =	simm.s32 $0xC0;
	[sflag:s0] =	ssyncpa.u1 $0x0  }
0x10e: {  	[tilespmem:s3], [sflag:$0x5] =	stream.linear.gather [spmem:s2], $0x20, $0x38;
	[tilespmem:$0x2520] =	vst v63  }
0x10f: {  	s2 =	simm.s32 $0x0;
	s3 =	simm.s32 $0xE0  }
0x110: {  	[tilespmem:s3], [sflag:$0x5] =	stream.linear.gather [spmem:s2], $0x20, $0x38;
	[tilespmem:$0x2520] =	vst v63  }
.Ltmp13:
0x111: {  	_ = 	snop;
	(pc) =	sbr.rel .LBB3_15-.Ltmp13, $4  }
0x112: {  	_ =	swait.ge [sflag:s0], $0x40  }
0x113: {  	[sflag:s0] =	ssyncset.done $0x0  }
0x114: {  	s31 =	simm.s32 $0x6;
	[sflag:s0] =	ssyncadd.s32 $0xFFFFFFC0  }
0x115: {  	s4 =	simm.s32 $0x0;
	[sflag:s31] =	ssyncpa.u1 $0x0  }
.LBB3_20:
0x116: {  	p0 =	sgt.u32 s0, $0x1FFF  }
0x117: {  	s5 =	sshrl.u32 @!p0 s0, $0x3  }
0x118: {  	s0 =	sand.u32 @!p0 $0x7, s0;
	s6 =	simm.s32 @!p0 $0xB0;
	s5 =	sadd.s32 @!p0 s1, s5  }
0x119: {  	[tilespmem:s6], [sflag:$0x6] =	stream.linear.gather @!p0 [hbm4b:s5+s0], $0x1, $0x38;
	[tilespmem:$0x2520] =	vst v63  }
0x11a: {  	s0 =	simm.s32 @!p0 $0x6  }
0x11b: {  	_ =	swait.ge @!p0 [sflag:s0], $0x1  }
0x11c: {  	[sflag:s0] =	ssyncset.done @!p0 $0x0  }
0x11d: {  	[sflag:s0] =	ssyncadd.s32 @!p0 $0xFFFFFFFF  }
0x11e: {  	v2 =	vmov @!p0 s4;
	v1 =	vld.msk @!p0 [tilespmem:$0xB0], $0x1;
	_ =	sdelay $0x3  }
0x11f: {  	s0 =	simm.s32 @!p0 $0xE0  }
0x120: {  	[tilespmem:v2+s0+$0x0], v1 =	vst.idx.ret.add.f32.msk @!p0 $0x1, v1  }
0x121: {  	[tilespmem:s2+$0xC0] =	vst.msk $0x1, v0  }
0x122: {  	v0 =	vld.msk [tilespmem:s4+$0xE0], $0x1;
	_ =	sdelay $0x4  }
0x123: {  	[tilespmem:s2+$0xE0] =	vst.msk $0x1, v0;
	s2 =	sadd.s32 $0x1, s2  }
.LBB3_22:
0x124: {  	s4 =	sadd.s32 $0x1, s4  }
0x125: {  	p0 =	sne.s32 s4, $0x20  }
.Ltmp14:
0x126: {  	_ = 	snop;
	(pc) =	sbr.rel @!p0 .LBB3_23-.Ltmp14, $1  }
0x127: {  	_ =	sdelay $0x3  }
.LBB3_15:
0x128: {  	v0 =	vld.msk [tilespmem:s4+$0xC0], $0x1;
	_ =	sdelay $0x4  }
0x129: {  	(v2sf) =	vpush v0, $0x0;
	_ =	sdelay $0xe  }
0x12a: {  	s0 =	spop (v2sf)  }
0x12b: {  	p0 =	seq.s32 s0, $0xFFFFFFFF  }
.Ltmp15:
0x12c: {  	_ = 	snop;
	(pc) =	sbr.rel @p0 .LBB3_22-.Ltmp15, $1  }
0x12d: {  	_ =	sdelay $0x3  }
0x12e: {  	p0 =	slt.s32 s2, $0x1  }
.Ltmp16:
0x12f: {  	_ = 	snop;
	(pc) =	sbr.rel @p0 .LBB3_20-.Ltmp16, $1  }
0x130: {  	_ =	sdelay $0x3  }
0x131: {  	s5 =	simm.s32 $0xC0;
	p0 =	por $0x0, $0x0  }
0x132: {  	v1 =	vld.msk @!p0 [tilespmem:s5+$0x0], $0x1;
	_ =	sdelay $0x4  }
0x133: {  	(v2sf) =	vpush @!p0 v1, $0x0;
	_ =	sdelay $0xd  }
0x134: {  	p2 =	sne.s32 s2, $0x1  }
.Ltmp17:
0x135: {  	s6 =	spop @!p0 (v2sf);
	(pc) =	sbr.rel @!p2 .LBB3_19-.Ltmp17, $4  }
0x136: {  	p1 =	seq.s32 @!p0 s0, s6  }
0x137: {  	s6 =	simm.s32 $0x0;
	p1 =	por !p1, p0  }
0x138: {  	s8 =	simm.s32 $0xFFFFFFFF;
	s6 =	simm.s32 @p1 $0xFFFFFFFF  }
0x139: {  	s7 =	simm.s32 $0x1;
	s6 =	smov.u32 @p0 s8  }
.LBB3_18:
0x13a: {  	s8 =	smov.u32 s6;
	p0 =	sne.s32 s6, $0xFFFFFFFF  }
0x13b: {  	s5 =	sadd.s32 $0x1, s5;
	s6 =	smov.u32 s7;
	s7 =	sadd.s32 $0x1, s7  }
0x13c: {  	p1 =	sne.s32 s2, s7;
	v1 =	vld.msk @!p0 [tilespmem:s5+$0x0], $0x1;
	_ =	sdelay $0x4  }
0x13d: {  	(v2sf) =	vpush @!p0 v1, $0x0;
	_ =	sdelay $0xe  }
.Ltmp18:
0x13e: {  	s9 =	spop @!p0 (v2sf);
	(pc) =	sbr.rel @p1 .LBB3_18-.Ltmp18, $4  }
0x13f: {  	p2 =	seq.s32 @!p0 s0, s9  }
0x140: {  	p2 =	por !p2, p0  }
0x141: {  	s6 =	simm.s32 @p2 $0xFFFFFFFF  }
0x142: {  	s6 =	smov.u32 @p0 s8  }
.LBB3_19:
0x143: {  	p0 =	sne.s32 s6, $0xFFFFFFFF  }
.Ltmp19:
0x144: {  	_ = 	snop;
	(pc) =	sbr.rel @!p0 .LBB3_20-.Ltmp19, $1  }
0x145: {  	_ =	sdelay $0x3  }
0x146: {  	v0 =	vld.msk [tilespmem:s4+$0xE0], $0x1;
	v1 =	vmov s6  }
.Ltmp20:
0x147: {  	_ = 	snop;
	(pc) =	sbr.rel .LBB3_22-.Ltmp20, $2  }
0x148: {  	_ =	sdelay $0x2  }
0x149: {  	[tilespmem:v1+s3+$0x0], v0 =	vst.idx.ret.add.f32.msk $0x1, v0  }
.LBB3_23:
0x14a: {  	p0 =	slt.s32 s2, $0x1  }
.Ltmp21:
0x14b: {  	_ = 	snop;
	(pc) =	sbr.rel @p0 .LBB3_27-.Ltmp21, $3  }
0x14c: {  	_ =	sdelay $0x1  }
0x14d: {  	s0 =	simm.s32 $0x6  }
0x14e: {  	[sflag:s0] =	ssyncpa.u1 $0x1;
	s0 =	simm.s32 $0x0  }
0x14f: {  	s3 =	simm.s32 $0xC0  }
0x150: {  	v0 =	vld.msk [tilespmem:s3+$0x0], $0x1;
	_ =	sdelay $0x4  }
0x151: {  	(v2sf) =	vpush v0, $0x0;
	_ =	sdelay $0xe  }
0x152: {  	s2 =	sadd.s32 $0xFFFFFFFF, s2;
	s4 =	spop (v2sf)  }
0x153: {  	p1 =	sne.s32 s2, $0x0;
	p0 =	sgt.u32 s4, $0x1FFF  }
.Ltmp22:
0x154: {  	s5 =	sshrl.u32 @!p0 s4, $0x3;
	(pc) =	sbr.rel @!p1 .LBB3_26-.Ltmp22, $4  }
0x155: {  	s3 =	simm.s32 $0xE0;
	s4 =	sand.u32 @!p0 $0x7, s4;
	s5 =	sadd.s32 @!p0 s1, s5  }
0x156: {  	[hbm4b:s5+s4] =	stream.linear.scatter @!p0 [tilespmem:s3], [sflag:$0x5], $0x1, $0x38;
	[tilespmem:$0x2520] =	vst v63  }
0x157: {  	s5 =	simm.s32 $0x0  }
0x158: {  	s4 =	simm.s32 $0xC1;
	s5 =	simm.s32 @!p0 $0x4  }
.LBB3_25:
0x159: {  	v0 =	vld.msk [tilespmem:s4+$0x0], $0x1;
	s2 =	sadd.s32 $0xFFFFFFFF, s2;
	s0 =	sadd.s32 s0, s5  }
0x15a: {  	p0 =	sne.s32 s2, $0x0;
	_ =	sdelay $0x3  }
0x15b: {  	(v2sf) =	vpush v0, $0x0;
	_ =	sdelay $0xe  }
.Ltmp23:
0x15c: {  	s6 =	spop (v2sf);
	(pc) =	sbr.rel @p0 .LBB3_25-.Ltmp23, $4  }
0x15d: {  	s5 =	simm.s32 $0x0;
	p1 =	sgt.u32 s6, $0x1FFF  }
0x15e: {  	s3 =	sadd.s32 $0x1, s3;
	s5 =	simm.s32 @!p1 $0x4;
	s7 =	sshrl.u32 @!p1 s6, $0x3  }
0x15f: {  	s4 =	sadd.s32 $0x1, s4;
	s6 =	sand.u32 @!p1 $0x7, s6;
	s7 =	sadd.s32 @!p1 s1, s7  }
0x160: {  	[hbm4b:s7+s6] =	stream.linear.scatter @!p1 [tilespmem:s3], [sflag:$0x5], $0x1, $0x38;
	[tilespmem:$0x2520] =	vst v63  }
.LBB3_26:
0x161: {  	s0 =	sadd.s32 s0, s5  }
0x162: {  	s0 =	sshrl.u32 s0, $0x2  }
.LBB3_27:
0x163: {  	s1 =	simm.s32 $0x5  }
0x164: {  	_ =	swait.ge [sflag:s1], s0  }
0x165: {  	s28 =	ssub.s32 $0x0, s0;
	[sflag:s1] =	ssyncset.done $0x0  }
0x166: {  	[sflag:s1] =	ssyncadd.s32 s28  }
0x167: {  	[sflag:s1] =	ssyncpa.u1 $0x1  }
0x168: {  	s29 =	simm.s32 $0x1;
	_ =	sfence  }
0x169: {  	s30 =	simm.s32 $0x2;
	[sflag:s29] =	ssyncpa.u1 $0x1  }
0x16a: {  	[sflag:s30] =	ssyncpa.u1 $0x1  }
0x16b: {  	_ =	strace $0x90000056  }
0x16c: {  	[bflag:$0x2] =	sbarrier.arrive $0xFFFF  }
0x16d: {  	s31 =	rddreg [dreg:$0x1]  }
0x16e: {  	s0 =	sadd.s32 $0x100000, s31  }
0x16f: {  	[sflag:s0] =	ssyncadd.tile.s32 $0x1;
	_ =	shalt  }
.Lfunc_end3:
_tile_overlayer_lowered:
.L_overlay_start_3:
0x170: {  	(tag) =	ssettag $0x3  }
0x171: {  	s0 =	rddreg [dreg:$0x0];
	s2 =	stileid.u32  }
0x172: {  	s1 =	rddreg [dreg:$0x1];
	p0 =	sne.s32 s2, $0x0  }
0x173: {  	s3 =	rddreg [dreg:$0x2];
	[bflag:$0x3] =	sbarrier.arrive $0xFFFF;
	s2 =	simm.s32 @!p0 $0x1C01  }
0x174: {  	[timem:s3], [sflag:s2] =	dma.local @!p0 [hbm:s0], s1  }
0x175: {  	s0 =	simm.s32 @!p0 $0x1  }
0x176: {  	_ =	swait.ge @!p0 [sflag:s0], s1  }
0x177: {  	s1 =	ssub.s32 @!p0 $0x0, s1;
	[sflag:s0] =	ssyncset.done @!p0 $0x0  }
0x178: {  	[sflag:s0] =	ssyncadd.s32 @!p0 s1  }
0x179: {  	[bflag:$0x3] =	sbarrier.arrive $0xFFFF  }
0x17a: {  	_ =	shalt  }

// kernel: scatter_offload_async_start.3
scs
__scs_entry_jumppad:
0x0: {  	(pc) =	sbr.rel $0x88, $3  }
0x1: {  	(tag) =	ssettag $0x0;
	lr =	simm.s32 $0x1  }
0x2: {  	[smem:$0x3F9E] =	sst lr;
	_ =	strace $0xD0000000  }
0x3: {  	_ = 	snop  }
0x4: {  	_ = 	snop  }
0x5: {  	_ = 	snop  }
0x6: {  	_ = 	snop  }
0x7: {  	_ = 	snop  }
__scs_overlays_trampoline_lowered:
0x8: {  	[smem:$0x3FAD] =	sst s0  }
0x9: {  	[smem:$0x3FAE] =	sst s1  }
0xa: {  	[smem:$0x3FAF] =	sst s2  }
0xb: {  	[smem:$0x3FB0] =	sst s3  }
0xc: {  	[smem:$0x3FB1] =	sst s4  }
0xd: {  	[smem:$0x3FB2] =	sst s5  }
0xe: {  	[smem:$0x3FB3] =	sst s6  }
0xf: {  	[smem:$0x3FB4] =	sst s7  }
0x10: {  	[smem:$0x3FB5] =	sst s8  }
0x11: {  	[smem:$0x3FB6] =	sst s9;
	s0 =	simm.s32 @!p0 $0x0  }
0x12: {  	s1 =	sld [smem:$0x3F9C];
	s0 =	simm.s32 @p0 $0x1  }
0x13: {  	[smem:$0x3FB7] =	sst s0;
	s0 =	simm.s32 @!p1 $0x0  }
0x14: {  	s2 =	sld [smem:$0x3F9B];
	s0 =	simm.s32 @p1 $0x1  }
0x15: {  	[smem:$0x3FB8] =	sst s0;
	s0 =	simm.s32 @!p2 $0x0  }
0x16: {  	s3 =	sld [smem:$0x3FDB];
	s0 =	simm.s32 @p2 $0x1  }
0x17: {  	s4 =	simm.s32 $0x1BF5;
	[smem:$0x3FBA] =	sst s0  }
0x18: {  	s0 =	sld [smem:$0x3F9D];
	_ =	swait.ge [sflag:s4], $0x0  }
0x19: {  	s7 =	sld [smem:$0x3F9E]  }
0x1a: {  	s8 =	sadd.s32 $0xFFFFE003, lr  }
0x1b: {  	s9 =	sadd.s32 $0xFFFFFEF7, lr;
	s5 =	simm.s32 $0xFFFFFFFF;
	p2 =	slt.u32 s8, $0xFFFFF086  }
0x1c: {  	p1 =	slt.u32 s9, $0xF7A;
	s5 =	simm.s32 @!p2 $0x0  }
0x1d: {  	s5 =	simm.s32 @p1 $0x1;
	p0 =	seq.s32 s7, s2  }
0x1e: {  	s7 =	smul.u32 @!p0 $0xF7A, s2;
	p2 =	seq.s32 @!p0 s5, $0x0  }
0x1f: {  	s9 =	smul.u32 $0xF7A, s1;
	s8 =	simm.s32 @!p0 $0x1BF5;
	p2 =	por !p2, p0  }
0x20: {  	[sflag:s8] =	ssyncset.s32 @!p0 $0xFFFFF086;
	s6 =	sadd.s32 @!p0 s3, s7;
	s7 =	simm.s32 @!p0 $0x108  }
0x21: {  	s3 =	sadd.s32 s3, s9;
	s6 =	sadd.s32 @!p0 $0x88, s6;
	s7 =	simm.s32 @p2 $0x1082  }
0x22: {  	[simem:s7], [sflag:s8] =	dma.local @!p0 [hbm:s6], $0xF7A  }
0x23: {  	s9 =	sor.u32 $0xD0000000, s2;
	s6 =	simm.s32 $0x108;
	_ =	swait.ge @!p0 [sflag:s8], $0x0  }
0x24: {  	s3 =	sadd.s32 $0x88, s3;
	s6 =	simm.s32 @!p1 $0x1082;
	[sflag:s4] =	ssyncset.s32 $0xFFFFF086  }
0x25: {  	[simem:s6], [sflag:s4] =	dma.local [hbm:s3], $0xF7A  }
0x26: {  	[smem:$0x3F9E] =	sst s1;
	(tag) =	ssettag s2;
	_ =	strace s9  }
0x27: {  	s1 =	sld [smem:$0x3FAE]  }
0x28: {  	s2 =	sld [smem:$0x3FAF]  }
0x29: {  	s4 =	sld [smem:$0x3FB1]  }
0x2a: {  	p0 =	seq.s32 s5, $0x0;
	s5 =	sld [smem:$0x3FB2]  }
0x2b: {  	s6 =	sld [smem:$0x3FB3]  }
0x2c: {  	s7 =	sld [smem:$0x3FB4]  }
0x2d: {  	s3 =	simm.s32 $0x108;
	s8 =	sld [smem:$0x3FB5]  }
0x2e: {  	s3 =	simm.s32 @!p0 $0x1082;
	s9 =	sld [smem:$0x3FB6]  }
0x2f: {  	lr =	sadd.s32 s0, s3;
	s0 =	sld [smem:$0x3FAD]  }
0x30: {  	s3 =	sld [smem:$0x3FB0]  }
0x31: {  	[smem:$0x3FB9] =	sst s10  }
0x32: {  	s10 =	sld [smem:$0x3FB7];
	_ =	sdelay $0x3  }
0x33: {  	p0 =	seq.s32 s10, $0x1;
	s10 =	sld [smem:$0x3FB9];
	_ =	sdelay $0x3  }
0x34: {  	[smem:$0x3FB9] =	sst s10  }
0x35: {  	s10 =	sld [smem:$0x3FB8];
	_ =	sdelay $0x3  }
0x36: {  	p1 =	seq.s32 s10, $0x1;
	s10 =	sld [smem:$0x3FB9];
	_ =	sdelay $0x3  }
0x37: {  	[smem:$0x3FB9] =	sst s10  }
0x38: {  	s10 =	sld [smem:$0x3FBA]  }
0x39: {  	_ = 	snop;
	(pc) =	sbr.ind lr, $3  }
0x3a: {  	_ = 	snop  }
0x3b: {  	_ = 	snop  }
0x3c: {  	p2 =	seq.s32 s10, $0x1;
	s10 =	sld [smem:$0x3FB9]  }
0x3d: {  	_ =	shalt  }
0x3e: {  	_ =	shalt  }
0x3f: {  	_ =	shalt  }
0x40: {  	_ =	shalt  }
0x41: {  	_ =	shalt  }
0x42: {  	_ =	shalt  }
0x43: {  	_ =	shalt  }
0x44: {  	_ =	shalt  }
0x45: {  	_ =	shalt  }
0x46: {  	_ =	shalt  }
0x47: {  	_ =	shalt  }
0x48: {  	_ =	shalt  }
0x49: {  	_ =	shalt  }
0x4a: {  	_ =	shalt  }
0x4b: {  	_ =	shalt  }
0x4c: {  	_ =	shalt  }
0x4d: {  	_ =	shalt  }
0x4e: {  	_ =	shalt  }
0x4f: {  	_ =	shalt  }
0x50: {  	_ =	shalt  }
0x51: {  	_ =	shalt  }
0x52: {  	_ =	shalt  }
0x53: {  	_ =	shalt  }
0x54: {  	_ =	shalt  }
0x55: {  	_ =	shalt  }
0x56: {  	_ =	shalt  }
0x57: {  	_ =	shalt  }
0x58: {  	_ =	shalt  }
0x59: {  	_ =	shalt  }
0x5a: {  	_ =	shalt  }
0x5b: {  	_ =	shalt  }
0x5c: {  	_ =	shalt  }
0x5d: {  	_ =	shalt  }
0x5e: {  	_ =	shalt  }
0x5f: {  	_ =	shalt  }
0x60: {  	_ =	shalt  }
0x61: {  	_ =	shalt  }
0x62: {  	_ =	shalt  }
0x63: {  	_ =	shalt  }
0x64: {  	_ =	shalt  }
0x65: {  	_ =	shalt  }
0x66: {  	_ =	shalt  }
0x67: {  	_ =	shalt  }
0x68: {  	_ =	shalt  }
0x69: {  	_ =	shalt  }
0x6a: {  	_ =	shalt  }
0x6b: {  	_ =	shalt  }
0x6c: {  	_ =	shalt  }
0x6d: {  	_ =	shalt  }
0x6e: {  	_ =	shalt  }
0x6f: {  	_ =	shalt  }
0x70: {  	_ =	shalt  }
0x71: {  	_ =	shalt  }
0x72: {  	_ =	shalt  }
0x73: {  	_ =	shalt  }
0x74: {  	_ =	shalt  }
0x75: {  	_ =	shalt  }
0x76: {  	_ =	shalt  }
0x77: {  	_ =	shalt  }
0x78: {  	_ =	shalt  }
0x79: {  	_ =	shalt  }
0x7a: {  	_ =	shalt  }
0x7b: {  	_ =	shalt  }
0x7c: {  	_ =	shalt  }
0x7d: {  	_ =	shalt  }
0x7e: {  	_ =	shalt  }
0x7f: {  	_ =	shalt  }
0x80: {  	_ =	shalt  }
0x81: {  	_ =	shalt  }
0x82: {  	_ =	shalt  }
0x83: {  	_ =	shalt  }
0x84: {  	_ =	shalt  }
0x85: {  	_ =	shalt  }
0x86: {  	_ =	shalt  }
0x87: {  	_ =	shalt  }
.Lfunc_end0:
.L_simem_size_0:
called_computation.3_lowered:
.L_overlay_start_0:
0x88: {  	s0 =	sld [smem:$0x3FD9]  }
0x89: {  	s1 =	sld [smem:$0x3FFE];
	_ =	sdelay $0x3  }
0x8a: {  	s0 =	sadd.s32 s1, s0  }
0x8b: {  	[smem:$0x3FC5] =	sst s0  }
0x8c: {  	_ = 	snop  }
0x8d: {  	(tm) =	ssettm $0x1  }
0x8e: {  	s14 =	sld [smem:$0x3FFB];
	_ =	sdelay $0x3  }
0x8f: {  	_ =	strace s14  }
0x90: {  	s0 =	sld [smem:$0x3FFC];
	_ =	sdelay $0x3  }
0x91: {  	_ =	strace s0  }
0x92: {  	s0 =	sld [smem:$0x3FFD];
	_ =	sdelay $0x3  }
0x93: {  	_ =	strace s0  }
0x94: {  	_ =	strace $0x8FFFFFFF  }
0x95: {  	s15 =	sld [smem:$0x3FDB];
	_ =	sdelay $0x1  }
0x96: {  	s16 =	simm.s32 $_scs_section_size  }
0x97: {  	s2 =	simm.s32 $_size__tile_overlayer_lowered;
	s3 =	simm.s32 $_tile_overlayer_lowered  }
0x98: {  	s4 =	simm.s32 $0x1BFF;
	s17 =	sshll.u32 s3, $0x1;
	s1 =	sadd.s32 s16, s15  }
0x99: {  	s18 =	simm.s32 $0x0;
	s2 =	sshll.u32 s2, $0x1;
	s3 =	sadd.s32 s17, s1  }
0x9a: {  	[timem:s18], [sflag:s4] =	dma.local [hbm:s3], s2  }
0x9b: {  	_ =	swait.ge [sflag:s4], s2  }
0x9c: {  	s2 =	ssub.s32 $0x0, s2;
	[sflag:s4] =	ssyncset.done $0x0  }
0x9d: {  	[sflag:s4] =	ssyncadd.s32 s2;
	_ =	sdelay $0x1  }
0x9e: {  	s19 =	simm.s32 $0x1B8B  }
0x9f: {  	_ =	swait.ge [sflag:s19], $0x1  }
0xa0: {  	[sflag:s19] =	ssyncset.done $0x0  }
0xa1: {  	s21 =	simm.s32 $0x1B8E;
	s20 =	sld [smem:$0x3FFE];
	[sflag:s19] =	ssyncadd.s32 $0xFFFFFFFF  }
0xa2: {  	s22 =	simm.s32 $execute0_lowered;
	[smem:$0x3FD2] =	sst s21  }
0xa3: {  	s3 =	sshll.u32 s22, $0x1;
	_ =	strace $0x80000058;
	[dreg:$0x1] =	wrdreg $0xFFFFFFFF  }
0xa4: {  	s23 =	simm.s32 $_size_execute0_lowered;
	s3 =	sadd.s32 s1, s3;
	[dreg:$0x0] =	wrdreg $0x0  }
0xa5: {  	s4 =	sshll.u32 s23, $0x1;
	[dreg:$0x2] =	wrdreg s3  }
0xa6: {  	[dreg:$0x3] =	wrdreg s4  }
0xa7: {  	[dreg:$0x4] =	wrdreg $0xC0  }
0xa8: {  	s24 =	simm.s32 $execute1_lowered;
	_ =	task [dreg:s18], $0x5FFFF  }
0xa9: {  	s3 =	sshll.u32 s24, $0x1;
	[dreg:$0x1] =	wrdreg $0xFFFFFFFF  }
0xaa: {  	s1 =	sadd.s32 s1, s3;
	[dreg:$0x0] =	wrdreg $0x60  }
0xab: {  	[dreg:$0x2] =	wrdreg s1  }
0xac: {  	[dreg:$0x3] =	wrdreg s20  }
0xad: {  	[dreg:$0x4] =	wrdreg $0x9  }
0xae: {  	_ =	task.clear_ibuf [dreg:s18], $0x5FFFF;
	_ =	strace $0x90000058  }
0xaf: {  	s25 =	simm.s32 $0x9;
	_ =	strace $0x8000005A  }
0xb0: {  	_ =	swait.ge [sflag:s25], $0x1  }
0xb1: {  	[sflag:s25] =	ssyncadd.s32 $0xFFFFFFFF  }
0xb2: {  	_ =	strace $0x9000005A  }
0xb3: {  	_ =	strace $0x8000005B;
	[dreg:$0x1] =	wrdreg $0xFFFFFFFF  }
0xb4: {  	[dreg:$0x0] =	wrdreg $0x2030  }
0xb5: {  	[dreg:$0x2] =	wrdreg s20  }
0xb6: {  	[dreg:$0x3] =	wrdreg $0xA  }
0xb7: {  	_ =	task.clear_ibuf [dreg:s18], $0x4FFFF;
	_ =	strace $0x9000005B  }
0xb8: {  	s26 =	simm.s32 $0xA;
	_ =	strace $0x8000005D  }
0xb9: {  	_ =	swait.ge [sflag:s26], $0x1  }
0xba: {  	[sflag:s26] =	ssyncadd.s32 $0xFFFFFFFF  }
0xbb: {  	_ =	strace $0x9000005D  }
0xbc: {  	_ =	sfence  }
0xbd: {  	s28 =	sld [smem:$0x0];
	_ =	sdelay $0x1  }
0xbe: {  	s29 =	srdreg.scid  }
0xbf: {  	s30 =	sshll.u32 s29, $0xD;
	s31 =	sshrl.u32 s29, $0x2  }
0xc0: {  	s2 =	sand.u32 $0x1, s29;
	s3 =	sand.u32 $0x4000, s30;
	s1 =	sadd.s32 s31, s28  }
0xc1: {  	s2 =	sor.u32 s3, s2;
	s1 =	sshll.u32 s1, $0x11  }
0xc2: {  	s1 =	sor.u32 s1, s2  }
0xc3: {  	s1 =	sadd.s32 $0x8F2B, s1  }
0xc4: {  	[sflag:s1] =	ssyncadd.remote.s32 $0x1  }
0xc5: {  	_ =	sfence.sel $0xFFFF  }
0xc6: {  	[dreg:$0x0] =	wrdreg $0xFFFFFFFF;
	(pc) =	sbr.abs _section_cstart, $3  }
0xc7: {  	[dreg:$0x1] =	wrdreg $0xFFFFFFFF  }
0xc8: {  	_ =	task.clear_ibuf [dreg:s18], $0x2FFFF;
	_ =	strace $0x9FFFFFFF  }
0xc9: {  	(tm) =	ssettm $0x7FFFFFFF  }
tec
execute0_lowered:
.L_overlay_start_1:
0x0: {  	(tag) =	ssettag $0x1  }
0x1: {  	s2 =	rddreg [dreg:$0x0]  }
0x2: {  	s4 =	rddreg [dreg:$0x1]  }
0x3: {  	s0 =	rddreg [dreg:$0x2]  }
0x4: {  	s3 =	stileid.u32;
	[bflag:$0x3] =	sbarrier.arrive $0xFFFF;
	s1 =	simm.s32 $_size_execute1_lowered  }
0x5: {  	s8 =	simm.s32 $0x2;
	s9 =	simm.s32 $0x0;
	p0 =	sne.s32 s3, $0x0  }
0x6: {  	s1 =	sshll.u32 s1, $0x1;
	s5 =	simm.s32 @!p0 $0x1C3F;
	s6 =	simm.s32 @!p0 $0x4060  }
0x7: {  	[timem:s6], [sflag:s5] =	dma.local @!p0 [hbm:s2], s1  }
0x8: {  	s11 =	simm.s32 $0x0;
	s10 =	simm.s32 $0x0;
	s2 =	sshll.u32 s3, $0x9  }
0x9: {  	s3 =	sshll.u32 s3, $0x6;
	_ =	strace $0x80000059;
	s30 =	ssub.s32 $0x2000, s2  }
.Ltmp0:
0xa: {  	s31 =	sadd.s32 s3, s4;
	s7 =	sand.u32 $0x1E00, s30;
	(pc) =	sbr.rel .LBB2_1-.Ltmp0, $4  }
0xb: {  	s3 =	simm.s32 $0x1;
	p1 =	sne.s32 s7, $0x0;
	s7 =	simm.s32 $0x1  }
0xc: {  	s4 =	sadd.s32 $0x1200, s4;
	s5 =	sshrl.u32 s30, $0xD;
	s7 =	simm.s32 @!p1 $0x0  }
0xd: {  	[sflag:s3] =	ssyncpa.u1 $0x0;
	s6 =	sadd.s32 $0x2800, s31;
	s5 =	sadd.s32 s7, s5  }
0xe: {  	[sflag:s8] =	ssyncpa.u1 $0x0;
	s8 =	simm.s32 $0x0;
	s7 =	sadd.s32 $0x1, s5  }
.LBB2_3:
0xf: {  	p2 =	sne.s32 s10, s7  }
.Ltmp1:
0x10: {  	p1 =	slt.u32 s10, $0x2;
	(pc) =	sbr.rel @!p2 .LBB2_4-.Ltmp1, $4  }
0x11: {  	s11 =	simm.s32 @!p1 $0x2  }
0x12: {  	_ =	swait.ge @!p1 [sflag:s11], $0x200  }
0x13: {  	s9 =	sadd.s32 $0x200, s9;
	[sflag:s11] =	ssyncset.done @!p1 $0x0  }
0x14: {  	s10 =	sadd.s32 $0x1, s10;
	[sflag:s11] =	ssyncadd.s32 @!p1 $0xFFFFFE00;
	s11 =	smov.u32 s2  }
.LBB2_1:
0x15: {  	p1 =	sge.u32 s10, s5  }
0x16: {  	s12 =	sxor.u32 @!p1 $0xFFFFFFFF, s9  }
0x17: {  	s31 =	sadd.s32 $0xFFFFFFFF, s10;
	s13 =	simm.s32 @!p1 $0x0;
	s12 =	sand.u32 @!p1 $0x200, s12  }
0x18: {  	[tilespmem:s12], [sflag:$0x1] =	stream.linear.gather @!p1 [hbm4b:s6+s13], $0x200, $0x38;
	[tilespmem:$0x800] =	vst v63  }
0x19: {  	p1 =	sge.u32 s31, s5  }
.Ltmp2:
0x1a: {  	_ = 	snop;
	(pc) =	sbr.rel @p1 .LBB2_3-.Ltmp2, $1  }
0x1b: {  	_ =	sdelay $0x3  }
0x1c: {  	_ =	swait.ge [sflag:s3], $0x200  }
0x1d: {  	[sflag:s3] =	ssyncset.done $0x0  }
0x1e: {  	s12 =	sand.u32 $0x200, s9;
	[sflag:s3] =	ssyncadd.s32 $0xFFFFFE00  }
0x1f: {  	v0 =	vld [tilespmem:s12+$0x0]  }
0x20: {  	v1 =	vld [tilespmem:s12+$0x10]  }
0x21: {  	v2 =	vld [tilespmem:s12+$0x20]  }
0x22: {  	v3 =	vld [tilespmem:s12+$0x30]  }
0x23: {  	v4 =	vld [tilespmem:s12+$0x40]  }
0x24: {  	v37 =	vld [tilespmem:s12+$0x50];
	[tilespmem:s12+$0x400] =	vst v0  }
0x25: {  	v38 =	vld [tilespmem:s12+$0x60];
	[tilespmem:s12+$0x410] =	vst v1  }
0x26: {  	v39 =	vld [tilespmem:s12+$0x70];
	[tilespmem:s12+$0x420] =	vst v2  }
0x27: {  	v40 =	vld [tilespmem:s12+$0x80];
	[tilespmem:s12+$0x430] =	vst v3  }
0x28: {  	v41 =	vld [tilespmem:s12+$0x90];
	[tilespmem:s12+$0x440] =	vst v4  }
0x29: {  	v42 =	vld [tilespmem:s12+$0xA0];
	[tilespmem:s12+$0x450] =	vst v37  }
0x2a: {  	v43 =	vld [tilespmem:s12+$0xB0];
	[tilespmem:s12+$0x460] =	vst v38  }
0x2b: {  	v44 =	vld [tilespmem:s12+$0xC0];
	[tilespmem:s12+$0x470] =	vst v39  }
0x2c: {  	v45 =	vld [tilespmem:s12+$0xD0];
	[tilespmem:s12+$0x480] =	vst v40  }
0x2d: {  	v46 =	vld [tilespmem:s12+$0xE0];
	[tilespmem:s12+$0x490] =	vst v41  }
0x2e: {  	v47 =	vld [tilespmem:s12+$0xF0];
	[tilespmem:s12+$0x4A0] =	vst v42  }
0x2f: {  	v48 =	vld [tilespmem:s12+$0x100];
	[tilespmem:s12+$0x4B0] =	vst v43  }
0x30: {  	v49 =	vld [tilespmem:s12+$0x110];
	[tilespmem:s12+$0x4C0] =	vst v44  }
0x31: {  	v50 =	vld [tilespmem:s12+$0x120];
	[tilespmem:s12+$0x4D0] =	vst v45  }
0x32: {  	v51 =	vld [tilespmem:s12+$0x130];
	[tilespmem:s12+$0x4E0] =	vst v46  }
0x33: {  	v52 =	vld [tilespmem:s12+$0x140];
	[tilespmem:s12+$0x4F0] =	vst v47  }
0x34: {  	v53 =	vld [tilespmem:s12+$0x150];
	[tilespmem:s12+$0x500] =	vst v48  }
0x35: {  	v54 =	vld [tilespmem:s12+$0x160];
	[tilespmem:s12+$0x510] =	vst v49  }
0x36: {  	v55 =	vld [tilespmem:s12+$0x170];
	[tilespmem:s12+$0x520] =	vst v50  }
0x37: {  	v56 =	vld [tilespmem:s12+$0x180];
	[tilespmem:s12+$0x530] =	vst v51  }
0x38: {  	v57 =	vld [tilespmem:s12+$0x190];
	[tilespmem:s12+$0x540] =	vst v52  }
0x39: {  	v58 =	vld [tilespmem:s12+$0x1A0];
	[tilespmem:s12+$0x550] =	vst v53  }
0x3a: {  	v59 =	vld [tilespmem:s12+$0x1B0];
	[tilespmem:s12+$0x560] =	vst v54  }
0x3b: {  	v60 =	vld [tilespmem:s12+$0x1C0];
	[tilespmem:s12+$0x570] =	vst v55  }
0x3c: {  	v61 =	vld [tilespmem:s12+$0x1D0];
	[tilespmem:s12+$0x580] =	vst v56  }
0x3d: {  	v62 =	vld [tilespmem:s12+$0x1E0];
	[tilespmem:s12+$0x590] =	vst v57  }
0x3e: {  	v63 =	vld [tilespmem:s12+$0x1F0];
	[tilespmem:s12+$0x5A0] =	vst v58  }
0x3f: {  	[tilespmem:s12+$0x5B0] =	vst v59  }
.Ltmp3:
0x40: {  	[tilespmem:s12+$0x5C0] =	vst v60;
	(pc) =	sbr.rel .LBB2_3-.Ltmp3, $4  }
0x41: {  	[tilespmem:s12+$0x5D0] =	vst v61  }
0x42: {  	s11 =	sshrl.u32 s11, $0x3;
	[tilespmem:s12+$0x5E0] =	vst v62  }
0x43: {  	s13 =	sor.u32 $0x400, s12;
	s11 =	sadd.s32 s4, s11;
	[tilespmem:s12+$0x5F0] =	vst v63  }
0x44: {  	[hbm4b:s11+s8] =	stream.linear.scatter [tilespmem:s13], [sflag:$0x2], $0x200, $0x38;
	[tilespmem:$0x800] =	vst v63  }
.LBB2_4:
0x45: {  	_ =	sfence.sel $0x180000  }
0x46: {  	s2 =	simm.s32 $0x1;
	[bflag:$0x0] =	sbarrier.arrive $0xFFFF  }
0x47: {  	s31 =	simm.s32 $0x2;
	[sflag:s2] =	ssyncpa.u1 $0x1  }
0x48: {  	[sflag:s31] =	ssyncpa.u1 $0x1  }
0x49: {  	_ =	strace $0x90000059  }
0x4a: {  	s0 =	sadd.s32 @!p0 $0x100000, s0;
	[bflag:$0x2] =	sbarrier.arrive $0xFFFF  }
0x4b: {  	[sflag:s0] =	ssyncadd.tile.s32 @!p0 $0x1;
	s0 =	simm.s32 @!p0 $0x3F  }
0x4c: {  	_ =	swait.ge @!p0 [sflag:s0], s1  }
0x4d: {  	s1 =	ssub.s32 @!p0 $0x0, s1;
	[sflag:s0] =	ssyncset.done @!p0 $0x0  }
0x4e: {  	[sflag:s0] =	ssyncadd.s32 @!p0 s1  }
0x4f: {  	[bflag:$0x3] =	sbarrier.arrive $0xFFFF  }
0x50: {  	_ =	shalt  }
.Lfunc_end2:
execute1_lowered:
.L_overlay_start_2:
0x51: {  	(tag) =	ssettag $0x2  }
0x52: {  	s3 =	rddreg [dreg:$0x0];
	_ =	strace $0x8000005C;
	s4 =	simm.s32 $0x1  }
0x53: {  	v1 =	vimm.s32 $0xFFFFFFFF;
	[sflag:s4] =	ssyncpa.u1 $0x0  }
0x54: {  	[tilespmem:$0x10] =	vst v1  }
0x55: {  	v0 =	vimm.f32 $0.0e+00;
	[tilespmem:$0x20] =	vst v1  }
0x56: {  	[tilespmem:$0x30] =	vst v0  }
0x57: {  	s0 =	simm.s32 $0x2;
	s6 =	simm.s32 $0x7;
	[tilespmem:$0x40] =	vst v0  }
0x58: {  	s2 =	stileid.u32;
	s7 =	simm.s32 $0x8;
	s31 =	simm.s32 $0x9;
	[tilespmem:$0x50] =	vst v0  }
0x59: {  	s14 =	simm.s32 $0x0;
	s15 =	simm.s32 $0x100;
	s18 =	simm.s32 $0x10;
	[tilespmem:$0x60] =	vst v1  }
0x5a: {  	s19 =	simm.s32 $0x2500;
	s20 =	simm.s32 $0xF;
	s21 =	simm.s32 $0x50;
	[tilespmem:$0x70] =	vst v1  }
0x5b: {  	s22 =	simm.s32 $0x10FF;
	s23 =	simm.s32 $0x20;
	s24 =	simm.s32 $0x30;
	[tilespmem:$0x80] =	vst v1  }
0x5c: {  	s25 =	simm.s32 $0x20FF;
	s26 =	simm.s32 $0x80;
	s30 =	simm.s32 $0x0;
	v1 =	vimm.s32 $0x0;
	[tilespmem:$0xB0] =	vst v0  }
.Ltmp4:
0x5d: {  	s29 =	simm.s32 $0x0;
	s1 =	sadd.s32 $0x1200, s3;
	[tilespmem:$0x90] =	vst v1;
	(pc) =	sbr.rel .LBB3_1-.Ltmp4, $4  }
0x5e: {  	s5 =	sadd.s32 $0x4000, s3;
	s8 =	sshll.u32 s2, $0xA;
	[tilespmem:$0xA0] =	vst v1;
	[sflag:s0] =	ssyncpa.u1 $0x0  }
0x5f: {  	s10 =	sshll.u32 s2, $0x1;
	s12 =	sshllo.u32 s2, $0x1;
	[sflag:s6] =	ssyncpa.u1 $0x0  }
0x60: {  	vm0 =	vmmov $0xffff;
	v2 =	vlaneseq.u32;
	s9 =	sadd.s32 $0x400, s8;
	s11 =	sor.u32 $0x81, s10;
	[sflag:s7] =	ssyncpa.u1 $0x0  }
0x61: {  	vm1 =	vmxor vm1, vm1;
	vm2 =	vmmov $0x1;
	vm3 =	vcmask $0x3F3C;
	s13 =	sor.u32 $0x80, s10;
	s28 =	smov.u32 s8;
	[sflag:s31] =	ssyncpa.u1 $0x0  }
.LBB3_3:
0x62: {  	s0 =	sshrl.u32 s28, $0x3  }
0x63: {  	s2 =	sand.u32 $0x7, s28;
	s0 =	sadd.s32 s3, s0  }
0x64: {  	[tilespmem:s15], [sflag:$0x7] =	stream.linear.gather [hbm4b:s0+s2], $0x400, $0x38;
	[tilespmem:$0x2520] =	vst v63  }
.LBB3_4:
0x65: {  	s0 =	sadd.s32 $0x400, s28  }
0x66: {  	s2 =	smov.u32 s8;
	s29 =	sadd.s32 $0x1, s29;
	p0 =	slt.s32 s0, s9  }
0x67: {  	s2 =	smov.u32 @p0 s0;
	p0 =	sne.s32 s29, $0x4  }
.Ltmp5:
0x68: {  	_ = 	snop;
	(pc) =	sbr.rel @!p0 .LBB3_13-.Ltmp5, $2  }
0x69: {  	_ =	sdelay $0x2  }
0x6a: {  	s30 =	smov.u32 s28;
	s28 =	smov.u32 s2  }
.LBB3_1:
0x6b: {  	p0 =	sgt.s32 s29, $0x1  }
.Ltmp6:
0x6c: {  	_ = 	snop;
	(pc) =	sbr.rel @p0 .LBB3_11-.Ltmp6, $1  }
0x6d: {  	_ =	sdelay $0x3  }
0x6e: {  	p0 =	seq.s32 s29, $0x0  }
.Ltmp7:
0x6f: {  	_ = 	snop;
	(pc) =	sbr.rel @p0 .LBB3_3-.Ltmp7, $1  }
0x70: {  	_ =	sdelay $0x3  }
0x71: {  	_ =	swait.ge [sflag:s6], $0x400  }
0x72: {  	[sflag:s6] =	ssyncset.done $0x0  }
0x73: {  	[sflag:s6] =	ssyncadd.s32 $0xFFFFFC00;
	(ifvalue) =	ssetifvalue $0xFFFFFFFF;
	v3 =	vld.msk [tilespmem:s15+$0x0 ss:$0x1], $0xffff;
	_ =	sdelay $0x4  }
0x74: {  	v4 =	vperm.xlane v3, v1  }
0x75: {  	vm4 =	vlt.u32 v3, $0x2000  }
0x76: {  	v3 =	vnsel vm4, $0xFFFFFFFE, v3;
	vm4 =	vlt.u32 v4, $0x2000  }
0x77: {  	[tilespmem:$0x70] =	vst v3;
	v3 =	vnsel vm4, $0xFFFFFFFE, v4  }
0x78: {  	s17 =	simm.s32 $0x4F0;
	[tilespmem:$0x80] =	vst v3  }
0x79: {  	v3 =	vld.msk [tilespmem:s17+$0x0 ss:$0x1], $0xffff;
	_ =	sdelay $0x4  }
0x7a: {  	(xrf1) =	vunique.msk.u32 $0xffff, v3;
	_ =	sdelay $0xd  }
0x7b: {  	v4 =	vimm.s32 $0xFFFFFFFF;
	v5, _, _ =	vpop (xrf1)  }
0x7c: {  	vm5 =	vne.s32 v3, v4;
	vm4 =	veq.s32 v5, v2  }
0x7d: {  	vm6 =	vlt.u32 v3, $0x2000;
	vm4 =	vmand vm5, vm4  }
0x7e: {  	vm4 =	vmand vm6, vm4  }
0x7f: {  	v4 =	vnsel vm4, $0xFFFFFFFF, v3;
	_ =	sdelay $0x3  }
0x80: {  	s0 =	simm.s32 $0x10F0;
	(ifvalue) =	ssetifvalue $0xFFFFFFFF  }
0x81: {  	v3 =	vperm.xlane v3, v1;
	[tilespmem:s0], [sflag:$0x8] =	stream.indirect_vreg.gather [hbm4b:s1+s14], $0x1, v4, vm0, $0x4038;
	v4 =	vnsel vm6, $0xFFFFFFFE, v4;
	[tilespmem:$0x2520] =	vst v63  }
0x82: {  	s2 =	simm.s32 $0x0;
	s16 =	simm.s32 $0x4E0;
	[tilespmem:s17+$0x0] =	vst v4  }
.LBB3_6:
0x83: {  	v4 =	vld.msk [tilespmem:s16+$0x0 ss:$0x1], $0xffff;
	s2 =	sadd.s32 $0x10, s2;
	v5 =	vmov v3;
	s17 =	smov.u32 s16  }
0x84: {  	p0 =	slt.u32 s2, $0x3F0;
	_ =	sdelay $0x4  }
0x85: {  	v3 =	vperm.xlane v4, v1;
	(xrf1) =	vunique.msk.u32 $0xffff, v4;
	_ =	sdelay $0xd  }
0x86: {  	v6, _, _ =	vpop (xrf1)  }
0x87: {  	vm5 =	vne.s32 v4, v5;
	vm4 =	veq.s32 v6, v2  }
0x88: {  	vm6 =	vlt.u32 v4, $0x2000;
	vm4 =	vmand vm5, vm4  }
0x89: {  	vm4 =	vmand vm6, vm4  }
0x8a: {  	v4 =	vnsel vm4, $0xFFFFFFFF, v4  }
.Ltmp8:
0x8b: {  	v5 =	vnsel vm6, $0xFFFFFFFE, v4;
	(pc) =	sbr.rel @p0 .LBB3_6-.Ltmp8, $3  }
0x8c: {  	_ =	sdelay $0x1  }
0x8d: {  	s16 =	sadd.s32 $0xFFFFFFF0, s16;
	s0 =	sadd.s32 $0xFFFFFFF0, s0;
	(ifvalue) =	ssetifvalue $0xFFFFFFFF  }
0x8e: {  	[tilespmem:s0], [sflag:$0x8] =	stream.indirect_vreg.gather [hbm4b:s1+s14], $0x1, v4, vm0, $0x4038;
	[tilespmem:s17+$0x0] =	vst v5  }
.Ltmp9:
0x8f: {  	(pc) =	sbr.rel .LBB3_4-.Ltmp9, $4  }
0x90: {  	_ = 	snop  }
0x91: {  	s0 =	sshrl.u32 s30, $0x3  }
0x92: {  	s2 =	simm.s32 $0x1500;
	s0 =	sadd.s32 s5, s0  }
0x93: {  	[tilespmem:s2], [sflag:$0x8] =	stream.linear.gather [hbm:s0], $0x400, $0x38;
	[tilespmem:$0x2520] =	vst v63  }
.LBB3_11:
0x94: {  	p0 =	seq.s32 s29, $0x2  }
.Ltmp10:
0x95: {  	_ = 	snop;
	(pc) =	sbr.rel @!p0 .LBB3_12-.Ltmp10, $1  }
0x96: {  	_ =	sdelay $0x3  }
0x97: {  	_ =	swait.ge [sflag:s7], $0x800  }
0x98: {  	[sflag:s7] =	ssyncset.done $0x0  }
0x99: {  	s0 =	simm.s32 $0x4FF;
	[sflag:s7] =	ssyncadd.s32 $0xFFFFF800  }
0x9a: {  	[spmem:s11] =	stream.linear.scatter [tilespmem:s0], [sflag:$0x1], $0x1, $0x38;
	[tilespmem:$0x2520] =	vst v63  }
0x9b: {  	_ =	swait.ge [sflag:s4], $0x1  }
0x9c: {  	[sflag:s4] =	ssyncset.done $0x0  }
0x9d: {  	[sflag:s4] =	ssyncadd.s32 $0xFFFFFFFF  }
0x9e: {  	v4 =	vld [tilespmem:$0x10]  }
0x9f: {  	v5 =	vld [tilespmem:$0x70]  }
0xa0: {  	v3 =	vld [tilespmem:$0x80];
	_ =	sdelay $0x2  }
0xa1: {  	(v2sf) =	vpush v4, $0x0  }
0xa2: {  	(v2sf) =	vpush v5, $0x0  }
0xa3: {  	(v2sf) =	vpush v3, $0x0;
	_ =	sdelay $0xc  }
0xa4: {  	s16 =	spop (v2sf)  }
0xa5: {  	s2 =	spop (v2sf)  }
0xa6: {  	s30 =	spop (v2sf)  }
0xa7: {  	p0 =	seq.s32 s16, s2;
	p1 =	seq.s32 s30, s16  }
0xa8: {  	p1 =	por p0, p1  }
0xa9: {  	v4 =	vpsel p1, $0xFFFFFFFF, v4  }
0xaa: {  	[tilespmem:s18+$0x0] =	vst.msk $0x1, v4  }
0xab: {  	v4 =	vld [tilespmem:$0x30]  }
0xac: {  	v5 =	vld [tilespmem:$0x1500]  }
0xad: {  	v6 =	vld [tilespmem:$0x40];
	_ =	sdelay $0x3  }
0xae: {  	vm4 =	vmmov vm1;
	v5 =	vadd.f32 v5, v4  }
0xaf: {  	vm5 =	vmmov vm2;
	s31 =	simm.s32 $0x1500;
	vm4 =	vmmov @p0 vm2;
	v4 =	vadd.f32 v6, v4  }
0xb0: {  	vm5 =	vmmov @p1 vm1;
	[tilespmem:s31+$0x0] =	vst.msk vm4, v5  }
0xb1: {  	[tilespmem:s19+$0x0] =	vst.msk vm5, v4  }
0xb2: {  	v4 =	vld [tilespmem:$0x10F0];
	_ =	sdelay $0x3  }
0xb3: {  	v5 =	vimm.f32 $0.0e+00  }
0xb4: {  	v4 =	vshift.insert v4, v5, s20;
	_ =	sdelay $0x1  }
0xb5: {  	[tilespmem:s21+$0x0] =	vst.msk $0x1, v4  }
0xb6: {  	[tilespmem:s22+$0x0] =	vst.msk $0x1, v5  }
0xb7: {  	v4 =	vld [tilespmem:$0x4F0];
	_ =	sdelay $0x4  }
0xb8: {  	v4 =	vshift.insert v4, v1, s20;
	_ =	sdelay $0x1  }
0xb9: {  	[tilespmem:s23+$0x0] =	vst.msk $0x1, v4  }
0xba: {  	s17 =	simm.s32 $0x100;
	v6 =	vld [tilespmem:s31+$0x0]  }
0xbb: {  	v7 =	vld [tilespmem:s17+$0x0];
	_ =	sdelay $0x3  }
0xbc: {  	v5 =	vadd.f32 v6, v5  }
0xbd: {  	vm4 =	vne.s32 v7, $0xFFFFFFFF  }
0xbe: {  	(xrf2) =	vadd.seg.scan.f32 vm4, v5;
	_ =	sdelay $0x3  }
0xbf: {  	s0 =	simm.s32 $0xD00;
	v5 =	vperm.xlane v4, v1  }
0xc0: {  	v6 =	vld [tilespmem:s0+$0x0]  }
0xc1: {  	vm5 =	veq.s32 v7, v3;
	vm6 =	veq.s32 v7, v5  }
0xc2: {  	vm7 =	vgt.u32 v7, $0xFFFFFFFD;
	vm6 =	vmor vm6, vm5  }
0xc3: {  	vm6 =	vmor vm6, vm7  }
0xc4: {  	v9 =	vld [tilespmem:$0xA0];
	v7 =	vsel vm6, $0xFFFFFFFF, v7  }
0xc5: {  	v10 =	vld [tilespmem:$0x90];
	v6 =	vsel vm5, $0x0, v6;
	v8, _, _ =	vpop (xrf2)  }
0xc6: {  	v6 =	vadd.f32 v8, v6  }
0xc7: {  	s2 =	simm.s32 $0x1D00  }
0xc8: {  	vm4 =	vmand vm4, vm3;
	[tilespmem:s2+$0x0] =	vst v6;
	(ifvalue) =	ssetifvalue $0xFFFFFFFF  }
0xc9: {  	vm6 =	veq.s32 v9, $0x1;
	[hbm4b:s1+s14] =	stream.indirect_vreg.scatter [tilespmem:s2], [sflag:$0x2], $0x1, v7, vm0, $0x4038;
	v7 =	vsel vm4, $0x0, v8;
	[tilespmem:$0x2520] =	vst v63  }
0xca: {  	s16 =	simm.s32 $0x0;
	s17 =	simm.s32 $0x110;
	vm4 =	vmor vm6, vm5;
	v6 =	vsel vm5, v8, v10;
	v7 =	vshift.insert v7, v0, s20  }
.LBB3_9:
0xcb: {  	v8 =	vld [tilespmem:s17+$0x0];
	s31 =	sadd.s32 $0x10, s31  }
0xcc: {  	s0 =	sadd.s32 $0x10, s0;
	v9 =	vld [tilespmem:s31+$0x0]  }
0xcd: {  	s16 =	sadd.s32 $0x10, s16;
	v10 =	vld [tilespmem:s0+$0x0]  }
0xce: {  	p0 =	slt.u32 s16, $0x3F0;
	_ =	sdelay $0x2  }
0xcf: {  	v7 =	vadd.f32 v9, v7  }
0xd0: {  	vm5 =	vne.s32 v8, $0xFFFFFFFF  }
0xd1: {  	vm6 =	vmand vm5, vm3;
	(xrf2) =	vadd.seg.scan.f32 vm5, v7;
	_ =	sdelay $0x5  }
0xd2: {  	vm7 =	veq.s32 v8, v5;
	vm5 =	veq.s32 v8, v3  }
0xd3: {  	vm8 =	vgt.u32 v8, $0xFFFFFFFD;
	vm4 =	vmor vm4, vm5;
	vm7 =	vmor vm7, vm5  }
0xd4: {  	vm7 =	vmor vm7, vm8  }
0xd5: {  	v8 =	vsel vm7, $0xFFFFFFFF, v8  }
.Ltmp11:
0xd6: {  	v7 =	vsel vm5, $0x0, v10;
	v9, _, _ =	vpop (xrf2);
	(pc) =	sbr.rel @p0 .LBB3_9-.Ltmp11, $4  }
0xd7: {  	v6 =	vsel vm5, v9, v6;
	v10 =	vadd.f32 v9, v7;
	v7 =	vsel vm6, $0x0, v9  }
0xd8: {  	s2 =	sadd.s32 $0x10, s2;
	v7 =	vshift.insert v7, v0, s20  }
0xd9: {  	s17 =	sadd.s32 $0x10, s17;
	[tilespmem:s2+$0x0] =	vst v10;
	(ifvalue) =	ssetifvalue $0xFFFFFFFF  }
0xda: {  	[hbm4b:s1+s14] =	stream.indirect_vreg.scatter [tilespmem:s2], [sflag:$0x2], $0x1, v8, vm0, $0x4038;
	[tilespmem:$0x2520] =	vst v63  }
0xdb: {  	v3 =	vld [tilespmem:$0x20F0];
	_ =	sdelay $0x4  }
0xdc: {  	v3 =	vshift.insert v3, v0, s20;
	_ =	sdelay $0x1  }
0xdd: {  	[tilespmem:s24+$0x0] =	vst.msk $0x1, v3  }
0xde: {  	v3 =	vsel vm4, $0x1, v1;
	[tilespmem:$0x90] =	vst v6  }
0xdf: {  	[tilespmem:$0xA0] =	vst v3  }
0xe0: {  	[spmem:s12] =	stream.linear.scatter [tilespmem:s25], [sflag:$0x1], $0x1, $0x38;
	[tilespmem:$0x2520] =	vst v63  }
0xe1: {  	v3 =	vmctz.xlane vm4;
	_ =	swait.ge [sflag:s4], $0x1  }
0xe2: {  	(v2sf) =	vpush v4, $0x0  }
0xe3: {  	(v2sf) =	vpush v3, $0x0;
	_ =	sdelay $0xd  }
0xe4: {  	s0 =	spop (v2sf)  }
0xe5: {  	s2 =	spop (v2sf)  }
0xe6: {  	[sflag:s4] =	ssyncset.done $0x0;
	p0 =	sne.s32 s30, s0;
	p1 =	slt.s32 s2, $0xF  }
0xe7: {  	[sflag:s4] =	ssyncadd.s32 $0xFFFFFFFF;
	v3 =	vimm.s32 @!p0 $0xFFFFFFFF;
	s2 =	simm.s32 @!p1 $0xF  }
0xe8: {  	[tilespmem:$0x80] =	vst @!p0 v3;
	s31 =	sadd.s32 $0x90, s2  }
0xe9: {  	[spmem:s10] =	stream.linear.scatter [tilespmem:s31], [sflag:$0x1], $0x1, $0x38;
	[tilespmem:$0x2520] =	vst v63  }
0xea: {  	_ =	swait.ge [sflag:s4], $0x1  }
0xeb: {  	[sflag:s4] =	ssyncset.done $0x0  }
0xec: {  	[sflag:s4] =	ssyncadd.s32 $0xFFFFFFFF  }
0xed: {  	[spmem:s13] =	stream.linear.scatter [tilespmem:s26], [sflag:$0x1], $0x1, $0x38;
	[tilespmem:$0x2520] =	vst v63  }
0xee: {  	_ =	swait.ge [sflag:s4], $0x1  }
0xef: {  	[sflag:s4] =	ssyncset.done $0x0  }
0xf0: {  	[sflag:s4] =	ssyncadd.s32 $0xFFFFFFFF;
	(ifvalue) =	ssetifvalue $0xFFFFFFFF;
	v3 =	vld [tilespmem:$0x10];
	_ =	sdelay $0x3  }
.Ltmp12:
0xf1: {  	_ = 	snop;
	(pc) =	sbr.rel .LBB3_4-.Ltmp12, $3  }
0xf2: {  	_ =	sdelay $0x1  }
0xf3: {  	(ifvalue) =	ssetifvalue $0xFFFFFFFF  }
0xf4: {  	[hbm4b:s1+s14] =	stream.indirect_vreg.scatter [tilespmem:s19], [sflag:$0x9], $0x1, v3, vm0, $0x4038;
	[tilespmem:$0x2520] =	vst v63  }
.LBB3_12:
0xf5: {  	s0 =	simm.s32 $0x2  }
0xf6: {  	_ =	swait.ge [sflag:s0], $0x400  }
0xf7: {  	[sflag:s0] =	ssyncset.done $0x0  }
0xf8: {  	s31 =	simm.s32 $0x9;
	[sflag:s0] =	ssyncadd.s32 $0xFFFFFC00  }
0xf9: {  	_ =	swait.ge [sflag:s31], $0x10  }
0xfa: {  	[sflag:s31] =	ssyncset.done $0x0  }
0xfb: {  	[sflag:s31] =	ssyncadd.s32 $0xFFFFFFF0  }
.LBB3_13:
0xfc: {  	_ =	sfence.sel $0x180000  }
0xfd: {  	s0 =	simm.s32 $0x7;
	[bflag:$0x0] =	sbarrier.arrive $0xFFFF  }
0xfe: {  	s26 =	simm.s32 $0x8;
	[sflag:s0] =	ssyncpa.u1 $0x1  }
0xff: {  	s28 =	simm.s32 $0x9;
	[sflag:s26] =	ssyncpa.u1 $0x1  }
0x100: {  	[sflag:s28] =	ssyncpa.u1 $0x1  }
0x101: {  	_ =	sfence.stream.spmem  }
0x102: {  	s29 =	simm.s32 $0x3;
	[bflag:$0x0] =	sbarrier.arrive $0xFFFF  }
0x103: {  	s30 =	simm.s32 $0x4;
	[sflag:s29] =	ssyncpa.u1 $0x1  }
0x104: {  	s31 =	simm.s32 $0x3C;
	s2 =	stileid.u32;
	[sflag:s30] =	ssyncpa.u1 $0x1  }
0x105: {  	p0 =	sne.s32 s2, $0x0;
	[sflag:s31] =	ssyncpa.u1 $0x1  }
0x106: {  	s0 =	simm.s32 @p0 $0x1;
	_ =	sfence @p0  }
0x107: {  	[sflag:s0] =	ssyncpa.u1 @p0 $0x1;
	s0 =	simm.s32 @p0 $0x2  }
0x108: {  	[sflag:s0] =	ssyncpa.u1 @p0 $0x1  }
0x109: {  	_ =	strace @p0 $0x9000005C  }
0x10a: {  	[bflag:$0x2] =	sbarrier.arrive @p0 $0xFFFF  }
0x10b: {  	_ =	shalt @p0  }
.LBB3_14:
0x10c: {  	_ =	sfence.stream.spmem;
	s0 =	simm.s32 $0x5  }
0x10d: {  	s2 =	simm.s32 $0x80;
	s3 =	simm.s32 $0xC0;
	[sflag:s0] =	ssyncpa.u1 $0x0  }
0x10e: {  	[tilespmem:s3], [sflag:$0x5] =	stream.linear.gather [spmem:s2], $0x20, $0x38;
	[tilespmem:$0x2520] =	vst v63  }
0x10f: {  	s2 =	simm.s32 $0x0;
	s3 =	simm.s32 $0xE0  }
0x110: {  	[tilespmem:s3], [sflag:$0x5] =	stream.linear.gather [spmem:s2], $0x20, $0x38;
	[tilespmem:$0x2520] =	vst v63  }
.Ltmp13:
0x111: {  	_ = 	snop;
	(pc) =	sbr.rel .LBB3_15-.Ltmp13, $4  }
0x112: {  	_ =	swait.ge [sflag:s0], $0x40  }
0x113: {  	[sflag:s0] =	ssyncset.done $0x0  }
0x114: {  	s31 =	simm.s32 $0x6;
	[sflag:s0] =	ssyncadd.s32 $0xFFFFFFC0  }
0x115: {  	s4 =	simm.s32 $0x0;
	[sflag:s31] =	ssyncpa.u1 $0x0  }
.LBB3_20:
0x116: {  	p0 =	sgt.u32 s0, $0x1FFF  }
0x117: {  	s5 =	sshrl.u32 @!p0 s0, $0x3  }
0x118: {  	s0 =	sand.u32 @!p0 $0x7, s0;
	s6 =	simm.s32 @!p0 $0xB0;
	s5 =	sadd.s32 @!p0 s1, s5  }
0x119: {  	[tilespmem:s6], [sflag:$0x6] =	stream.linear.gather @!p0 [hbm4b:s5+s0], $0x1, $0x38;
	[tilespmem:$0x2520] =	vst v63  }
0x11a: {  	s0 =	simm.s32 @!p0 $0x6  }
0x11b: {  	_ =	swait.ge @!p0 [sflag:s0], $0x1  }
0x11c: {  	[sflag:s0] =	ssyncset.done @!p0 $0x0  }
0x11d: {  	[sflag:s0] =	ssyncadd.s32 @!p0 $0xFFFFFFFF  }
0x11e: {  	v2 =	vmov @!p0 s4;
	v1 =	vld.msk @!p0 [tilespmem:$0xB0], $0x1;
	_ =	sdelay $0x3  }
0x11f: {  	s0 =	simm.s32 @!p0 $0xE0  }
0x120: {  	[tilespmem:v2+s0+$0x0], v1 =	vst.idx.ret.add.f32.msk @!p0 $0x1, v1  }
0x121: {  	[tilespmem:s2+$0xC0] =	vst.msk $0x1, v0  }
0x122: {  	v0 =	vld.msk [tilespmem:s4+$0xE0], $0x1;
	_ =	sdelay $0x4  }
0x123: {  	[tilespmem:s2+$0xE0] =	vst.msk $0x1, v0;
	s2 =	sadd.s32 $0x1, s2  }
.LBB3_22:
0x124: {  	s4 =	sadd.s32 $0x1, s4  }
0x125: {  	p0 =	sne.s32 s4, $0x20  }
.Ltmp14:
0x126: {  	_ = 	snop;
	(pc) =	sbr.rel @!p0 .LBB3_23-.Ltmp14, $1  }
0x127: {  	_ =	sdelay $0x3  }
.LBB3_15:
0x128: {  	v0 =	vld.msk [tilespmem:s4+$0xC0], $0x1;
	_ =	sdelay $0x4  }
0x129: {  	(v2sf) =	vpush v0, $0x0;
	_ =	sdelay $0xe  }
0x12a: {  	s0 =	spop (v2sf)  }
0x12b: {  	p0 =	seq.s32 s0, $0xFFFFFFFF  }
.Ltmp15:
0x12c: {  	_ = 	snop;
	(pc) =	sbr.rel @p0 .LBB3_22-.Ltmp15, $1  }
0x12d: {  	_ =	sdelay $0x3  }
0x12e: {  	p0 =	slt.s32 s2, $0x1  }
.Ltmp16:
0x12f: {  	_ = 	snop;
	(pc) =	sbr.rel @p0 .LBB3_20-.Ltmp16, $1  }
0x130: {  	_ =	sdelay $0x3  }
0x131: {  	s5 =	simm.s32 $0xC0;
	p0 =	por $0x0, $0x0  }
0x132: {  	v1 =	vld.msk @!p0 [tilespmem:s5+$0x0], $0x1;
	_ =	sdelay $0x4  }
0x133: {  	(v2sf) =	vpush @!p0 v1, $0x0;
	_ =	sdelay $0xd  }
0x134: {  	p2 =	sne.s32 s2, $0x1  }
.Ltmp17:
0x135: {  	s6 =	spop @!p0 (v2sf);
	(pc) =	sbr.rel @!p2 .LBB3_19-.Ltmp17, $4  }
0x136: {  	p1 =	seq.s32 @!p0 s0, s6  }
0x137: {  	s6 =	simm.s32 $0x0;
	p1 =	por !p1, p0  }
0x138: {  	s8 =	simm.s32 $0xFFFFFFFF;
	s6 =	simm.s32 @p1 $0xFFFFFFFF  }
0x139: {  	s7 =	simm.s32 $0x1;
	s6 =	smov.u32 @p0 s8  }
.LBB3_18:
0x13a: {  	s8 =	smov.u32 s6;
	p0 =	sne.s32 s6, $0xFFFFFFFF  }
0x13b: {  	s5 =	sadd.s32 $0x1, s5;
	s6 =	smov.u32 s7;
	s7 =	sadd.s32 $0x1, s7  }
0x13c: {  	p1 =	sne.s32 s2, s7;
	v1 =	vld.msk @!p0 [tilespmem:s5+$0x0], $0x1;
	_ =	sdelay $0x4  }
0x13d: {  	(v2sf) =	vpush @!p0 v1, $0x0;
	_ =	sdelay $0xe  }
.Ltmp18:
0x13e: {  	s9 =	spop @!p0 (v2sf);
	(pc) =	sbr.rel @p1 .LBB3_18-.Ltmp18, $4  }
0x13f: {  	p2 =	seq.s32 @!p0 s0, s9  }
0x140: {  	p2 =	por !p2, p0  }
0x141: {  	s6 =	simm.s32 @p2 $0xFFFFFFFF  }
0x142: {  	s6 =	smov.u32 @p0 s8  }
.LBB3_19:
0x143: {  	p0 =	sne.s32 s6, $0xFFFFFFFF  }
.Ltmp19:
0x144: {  	_ = 	snop;
	(pc) =	sbr.rel @!p0 .LBB3_20-.Ltmp19, $1  }
0x145: {  	_ =	sdelay $0x3  }
0x146: {  	v0 =	vld.msk [tilespmem:s4+$0xE0], $0x1;
	v1 =	vmov s6  }
.Ltmp20:
0x147: {  	_ = 	snop;
	(pc) =	sbr.rel .LBB3_22-.Ltmp20, $2  }
0x148: {  	_ =	sdelay $0x2  }
0x149: {  	[tilespmem:v1+s3+$0x0], v0 =	vst.idx.ret.add.f32.msk $0x1, v0  }
.LBB3_23:
0x14a: {  	p0 =	slt.s32 s2, $0x1  }
.Ltmp21:
0x14b: {  	_ = 	snop;
	(pc) =	sbr.rel @p0 .LBB3_27-.Ltmp21, $3  }
0x14c: {  	_ =	sdelay $0x1  }
0x14d: {  	s0 =	simm.s32 $0x6  }
0x14e: {  	[sflag:s0] =	ssyncpa.u1 $0x1;
	s0 =	simm.s32 $0x0  }
0x14f: {  	s3 =	simm.s32 $0xC0  }
0x150: {  	v0 =	vld.msk [tilespmem:s3+$0x0], $0x1;
	_ =	sdelay $0x4  }
0x151: {  	(v2sf) =	vpush v0, $0x0;
	_ =	sdelay $0xe  }
0x152: {  	s2 =	sadd.s32 $0xFFFFFFFF, s2;
	s4 =	spop (v2sf)  }
0x153: {  	p1 =	sne.s32 s2, $0x0;
	p0 =	sgt.u32 s4, $0x1FFF  }
.Ltmp22:
0x154: {  	s5 =	sshrl.u32 @!p0 s4, $0x3;
	(pc) =	sbr.rel @!p1 .LBB3_26-.Ltmp22, $4  }
0x155: {  	s3 =	simm.s32 $0xE0;
	s4 =	sand.u32 @!p0 $0x7, s4;
	s5 =	sadd.s32 @!p0 s1, s5  }
0x156: {  	[hbm4b:s5+s4] =	stream.linear.scatter @!p0 [tilespmem:s3], [sflag:$0x5], $0x1, $0x38;
	[tilespmem:$0x2520] =	vst v63  }
0x157: {  	s5 =	simm.s32 $0x0  }
0x158: {  	s4 =	simm.s32 $0xC1;
	s5 =	simm.s32 @!p0 $0x4  }
.LBB3_25:
0x159: {  	v0 =	vld.msk [tilespmem:s4+$0x0], $0x1;
	s2 =	sadd.s32 $0xFFFFFFFF, s2;
	s0 =	sadd.s32 s0, s5  }
0x15a: {  	p0 =	sne.s32 s2, $0x0;
	_ =	sdelay $0x3  }
0x15b: {  	(v2sf) =	vpush v0, $0x0;
	_ =	sdelay $0xe  }
.Ltmp23:
0x15c: {  	s6 =	spop (v2sf);
	(pc) =	sbr.rel @p0 .LBB3_25-.Ltmp23, $4  }
0x15d: {  	s5 =	simm.s32 $0x0;
	p1 =	sgt.u32 s6, $0x1FFF  }
0x15e: {  	s3 =	sadd.s32 $0x1, s3;
	s5 =	simm.s32 @!p1 $0x4;
	s7 =	sshrl.u32 @!p1 s6, $0x3  }
0x15f: {  	s4 =	sadd.s32 $0x1, s4;
	s6 =	sand.u32 @!p1 $0x7, s6;
	s7 =	sadd.s32 @!p1 s1, s7  }
0x160: {  	[hbm4b:s7+s6] =	stream.linear.scatter @!p1 [tilespmem:s3], [sflag:$0x5], $0x1, $0x38;
	[tilespmem:$0x2520] =	vst v63  }
.LBB3_26:
0x161: {  	s0 =	sadd.s32 s0, s5  }
0x162: {  	s0 =	sshrl.u32 s0, $0x2  }
.LBB3_27:
0x163: {  	s1 =	simm.s32 $0x5  }
0x164: {  	_ =	swait.ge [sflag:s1], s0  }
0x165: {  	s28 =	ssub.s32 $0x0, s0;
	[sflag:s1] =	ssyncset.done $0x0  }
0x166: {  	[sflag:s1] =	ssyncadd.s32 s28  }
0x167: {  	[sflag:s1] =	ssyncpa.u1 $0x1  }
0x168: {  	s29 =	simm.s32 $0x1;
	_ =	sfence  }
0x169: {  	s30 =	simm.s32 $0x2;
	[sflag:s29] =	ssyncpa.u1 $0x1  }
0x16a: {  	[sflag:s30] =	ssyncpa.u1 $0x1  }
0x16b: {  	_ =	strace $0x9000005C  }
0x16c: {  	[bflag:$0x2] =	sbarrier.arrive $0xFFFF  }
0x16d: {  	s31 =	rddreg [dreg:$0x1]  }
0x16e: {  	s0 =	sadd.s32 $0x100000, s31  }
0x16f: {  	[sflag:s0] =	ssyncadd.tile.s32 $0x1;
	_ =	shalt  }
.Lfunc_end3:
_tile_overlayer_lowered:
.L_overlay_start_3:
0x170: {  	(tag) =	ssettag $0x3  }
0x171: {  	s0 =	rddreg [dreg:$0x0];
	s2 =	stileid.u32  }
0x172: {  	s1 =	rddreg [dreg:$0x1];
	p0 =	sne.s32 s2, $0x0  }
0x173: {  	s3 =	rddreg [dreg:$0x2];
	[bflag:$0x3] =	sbarrier.arrive $0xFFFF;
	s2 =	simm.s32 @!p0 $0x1C01  }
0x174: {  	[timem:s3], [sflag:s2] =	dma.local @!p0 [hbm:s0], s1  }
0x175: {  	s0 =	simm.s32 @!p0 $0x1  }
0x176: {  	_ =	swait.ge @!p0 [sflag:s0], s1  }
0x177: {  	s1 =	ssub.s32 @!p0 $0x0, s1;
	[sflag:s0] =	ssyncset.done @!p0 $0x0  }
0x178: {  	[sflag:s0] =	ssyncadd.s32 @!p0 s1  }
0x179: {  	[bflag:$0x3] =	sbarrier.arrive $0xFFFF  }
0x17a: {  	_ =	shalt  }

// kernel: scatter_offload_async_start
scs
__scs_entry_jumppad:
0x0: {  	(pc) =	sbr.rel $0x88, $3  }
0x1: {  	(tag) =	ssettag $0x0;
	lr =	simm.s32 $0x1  }
0x2: {  	[smem:$0x3F9E] =	sst lr;
	_ =	strace $0xD0000000  }
0x3: {  	_ = 	snop  }
0x4: {  	_ = 	snop  }
0x5: {  	_ = 	snop  }
0x6: {  	_ = 	snop  }
0x7: {  	_ = 	snop  }
__scs_overlays_trampoline_lowered:
0x8: {  	[smem:$0x3FAD] =	sst s0  }
0x9: {  	[smem:$0x3FAE] =	sst s1  }
0xa: {  	[smem:$0x3FAF] =	sst s2  }
0xb: {  	[smem:$0x3FB0] =	sst s3  }
0xc: {  	[smem:$0x3FB1] =	sst s4  }
0xd: {  	[smem:$0x3FB2] =	sst s5  }
0xe: {  	[smem:$0x3FB3] =	sst s6  }
0xf: {  	[smem:$0x3FB4] =	sst s7  }
0x10: {  	[smem:$0x3FB5] =	sst s8  }
0x11: {  	[smem:$0x3FB6] =	sst s9;
	s0 =	simm.s32 @!p0 $0x0  }
0x12: {  	s1 =	sld [smem:$0x3F9C];
	s0 =	simm.s32 @p0 $0x1  }
0x13: {  	[smem:$0x3FB7] =	sst s0;
	s0 =	simm.s32 @!p1 $0x0  }
0x14: {  	s2 =	sld [smem:$0x3F9B];
	s0 =	simm.s32 @p1 $0x1  }
0x15: {  	[smem:$0x3FB8] =	sst s0;
	s0 =	simm.s32 @!p2 $0x0  }
0x16: {  	s3 =	sld [smem:$0x3FDB];
	s0 =	simm.s32 @p2 $0x1  }
0x17: {  	s4 =	simm.s32 $0x1BF5;
	[smem:$0x3FBA] =	sst s0  }
0x18: {  	s0 =	sld [smem:$0x3F9D];
	_ =	swait.ge [sflag:s4], $0x0  }
0x19: {  	s7 =	sld [smem:$0x3F9E]  }
0x1a: {  	s8 =	sadd.s32 $0xFFFFE003, lr  }
0x1b: {  	s9 =	sadd.s32 $0xFFFFFEF7, lr;
	s5 =	simm.s32 $0xFFFFFFFF;
	p2 =	slt.u32 s8, $0xFFFFF086  }
0x1c: {  	p1 =	slt.u32 s9, $0xF7A;
	s5 =	simm.s32 @!p2 $0x0  }
0x1d: {  	s5 =	simm.s32 @p1 $0x1;
	p0 =	seq.s32 s7, s2  }
0x1e: {  	s7 =	smul.u32 @!p0 $0xF7A, s2;
	p2 =	seq.s32 @!p0 s5, $0x0  }
0x1f: {  	s9 =	smul.u32 $0xF7A, s1;
	s8 =	simm.s32 @!p0 $0x1BF5;
	p2 =	por !p2, p0  }
0x20: {  	[sflag:s8] =	ssyncset.s32 @!p0 $0xFFFFF086;
	s6 =	sadd.s32 @!p0 s3, s7;
	s7 =	simm.s32 @!p0 $0x108  }
0x21: {  	s3 =	sadd.s32 s3, s9;
	s6 =	sadd.s32 @!p0 $0x88, s6;
	s7 =	simm.s32 @p2 $0x1082  }
0x22: {  	[simem:s7], [sflag:s8] =	dma.local @!p0 [hbm:s6], $0xF7A  }
0x23: {  	s9 =	sor.u32 $0xD0000000, s2;
	s6 =	simm.s32 $0x108;
	_ =	swait.ge @!p0 [sflag:s8], $0x0  }
0x24: {  	s3 =	sadd.s32 $0x88, s3;
	s6 =	simm.s32 @!p1 $0x1082;
	[sflag:s4] =	ssyncset.s32 $0xFFFFF086  }
0x25: {  	[simem:s6], [sflag:s4] =	dma.local [hbm:s3], $0xF7A  }
0x26: {  	[smem:$0x3F9E] =	sst s1;
	(tag) =	ssettag s2;
	_ =	strace s9  }
0x27: {  	s1 =	sld [smem:$0x3FAE]  }
0x28: {  	s2 =	sld [smem:$0x3FAF]  }
0x29: {  	s4 =	sld [smem:$0x3FB1]  }
0x2a: {  	p0 =	seq.s32 s5, $0x0;
	s5 =	sld [smem:$0x3FB2]  }
0x2b: {  	s6 =	sld [smem:$0x3FB3]  }
0x2c: {  	s7 =	sld [smem:$0x3FB4]  }
0x2d: {  	s3 =	simm.s32 $0x108;
	s8 =	sld [smem:$0x3FB5]  }
0x2e: {  	s3 =	simm.s32 @!p0 $0x1082;
	s9 =	sld [smem:$0x3FB6]  }
0x2f: {  	lr =	sadd.s32 s0, s3;
	s0 =	sld [smem:$0x3FAD]  }
0x30: {  	s3 =	sld [smem:$0x3FB0]  }
0x31: {  	[smem:$0x3FB9] =	sst s10  }
0x32: {  	s10 =	sld [smem:$0x3FB7];
	_ =	sdelay $0x3  }
0x33: {  	p0 =	seq.s32 s10, $0x1;
	s10 =	sld [smem:$0x3FB9];
	_ =	sdelay $0x3  }
0x34: {  	[smem:$0x3FB9] =	sst s10  }
0x35: {  	s10 =	sld [smem:$0x3FB8];
	_ =	sdelay $0x3  }
0x36: {  	p1 =	seq.s32 s10, $0x1;
	s10 =	sld [smem:$0x3FB9];
	_ =	sdelay $0x3  }
0x37: {  	[smem:$0x3FB9] =	sst s10  }
0x38: {  	s10 =	sld [smem:$0x3FBA]  }
0x39: {  	_ = 	snop;
	(pc) =	sbr.ind lr, $3  }
0x3a: {  	_ = 	snop  }
0x3b: {  	_ = 	snop  }
0x3c: {  	p2 =	seq.s32 s10, $0x1;
	s10 =	sld [smem:$0x3FB9]  }
0x3d: {  	_ =	shalt  }
0x3e: {  	_ =	shalt  }
0x3f: {  	_ =	shalt  }
0x40: {  	_ =	shalt  }
0x41: {  	_ =	shalt  }
0x42: {  	_ =	shalt  }
0x43: {  	_ =	shalt  }
0x44: {  	_ =	shalt  }
0x45: {  	_ =	shalt  }
0x46: {  	_ =	shalt  }
0x47: {  	_ =	shalt  }
0x48: {  	_ =	shalt  }
0x49: {  	_ =	shalt  }
0x4a: {  	_ =	shalt  }
0x4b: {  	_ =	shalt  }
0x4c: {  	_ =	shalt  }
0x4d: {  	_ =	shalt  }
0x4e: {  	_ =	shalt  }
0x4f: {  	_ =	shalt  }
0x50: {  	_ =	shalt  }
0x51: {  	_ =	shalt  }
0x52: {  	_ =	shalt  }
0x53: {  	_ =	shalt  }
0x54: {  	_ =	shalt  }
0x55: {  	_ =	shalt  }
0x56: {  	_ =	shalt  }
0x57: {  	_ =	shalt  }
0x58: {  	_ =	shalt  }
0x59: {  	_ =	shalt  }
0x5a: {  	_ =	shalt  }
0x5b: {  	_ =	shalt  }
0x5c: {  	_ =	shalt  }
0x5d: {  	_ =	shalt  }
0x5e: {  	_ =	shalt  }
0x5f: {  	_ =	shalt  }
0x60: {  	_ =	shalt  }
0x61: {  	_ =	shalt  }
0x62: {  	_ =	shalt  }
0x63: {  	_ =	shalt  }
0x64: {  	_ =	shalt  }
0x65: {  	_ =	shalt  }
0x66: {  	_ =	shalt  }
0x67: {  	_ =	shalt  }
0x68: {  	_ =	shalt  }
0x69: {  	_ =	shalt  }
0x6a: {  	_ =	shalt  }
0x6b: {  	_ =	shalt  }
0x6c: {  	_ =	shalt  }
0x6d: {  	_ =	shalt  }
0x6e: {  	_ =	shalt  }
0x6f: {  	_ =	shalt  }
0x70: {  	_ =	shalt  }
0x71: {  	_ =	shalt  }
0x72: {  	_ =	shalt  }
0x73: {  	_ =	shalt  }
0x74: {  	_ =	shalt  }
0x75: {  	_ =	shalt  }
0x76: {  	_ =	shalt  }
0x77: {  	_ =	shalt  }
0x78: {  	_ =	shalt  }
0x79: {  	_ =	shalt  }
0x7a: {  	_ =	shalt  }
0x7b: {  	_ =	shalt  }
0x7c: {  	_ =	shalt  }
0x7d: {  	_ =	shalt  }
0x7e: {  	_ =	shalt  }
0x7f: {  	_ =	shalt  }
0x80: {  	_ =	shalt  }
0x81: {  	_ =	shalt  }
0x82: {  	_ =	shalt  }
0x83: {  	_ =	shalt  }
0x84: {  	_ =	shalt  }
0x85: {  	_ =	shalt  }
0x86: {  	_ =	shalt  }
0x87: {  	_ =	shalt  }
.Lfunc_end0:
.L_simem_size_0:
called_computation_lowered:
.L_overlay_start_0:
0x88: {  	s0 =	sld [smem:$0x3FD9]  }
0x89: {  	s1 =	sld [smem:$0x3FFE];
	_ =	sdelay $0x3  }
0x8a: {  	s0 =	sadd.s32 s1, s0  }
0x8b: {  	[smem:$0x3FC5] =	sst s0  }
0x8c: {  	_ = 	snop  }
0x8d: {  	(tm) =	ssettm $0x1  }
0x8e: {  	s14 =	sld [smem:$0x3FFB];
	_ =	sdelay $0x3  }
0x8f: {  	_ =	strace s14  }
0x90: {  	s0 =	sld [smem:$0x3FFC];
	_ =	sdelay $0x3  }
0x91: {  	_ =	strace s0  }
0x92: {  	s0 =	sld [smem:$0x3FFD];
	_ =	sdelay $0x3  }
0x93: {  	_ =	strace s0  }
0x94: {  	_ =	strace $0x8FFFFFFF  }
0x95: {  	s15 =	sld [smem:$0x3FDB];
	_ =	sdelay $0x1  }
0x96: {  	s16 =	simm.s32 $_scs_section_size  }
0x97: {  	s2 =	simm.s32 $_size__tile_overlayer_lowered;
	s3 =	simm.s32 $_tile_overlayer_lowered  }
0x98: {  	s4 =	simm.s32 $0x1BFF;
	s17 =	sshll.u32 s3, $0x1;
	s1 =	sadd.s32 s16, s15  }
0x99: {  	s18 =	simm.s32 $0x0;
	s2 =	sshll.u32 s2, $0x1;
	s3 =	sadd.s32 s17, s1  }
0x9a: {  	[timem:s18], [sflag:s4] =	dma.local [hbm:s3], s2  }
0x9b: {  	_ =	swait.ge [sflag:s4], s2  }
0x9c: {  	s2 =	ssub.s32 $0x0, s2;
	[sflag:s4] =	ssyncset.done $0x0  }
0x9d: {  	[sflag:s4] =	ssyncadd.s32 s2;
	_ =	sdelay $0x1  }
0x9e: {  	s19 =	simm.s32 $0x1B8B  }
0x9f: {  	_ =	swait.ge [sflag:s19], $0x1  }
0xa0: {  	[sflag:s19] =	ssyncset.done $0x0  }
0xa1: {  	s21 =	simm.s32 $0x1B8E;
	s20 =	sld [smem:$0x3FFE];
	[sflag:s19] =	ssyncadd.s32 $0xFFFFFFFF  }
0xa2: {  	s22 =	simm.s32 $execute0_lowered;
	[smem:$0x3FD2] =	sst s21  }
0xa3: {  	s3 =	sshll.u32 s22, $0x1;
	_ =	strace $0x80000046;
	[dreg:$0x1] =	wrdreg $0xFFFFFFFF  }
0xa4: {  	s23 =	simm.s32 $_size_execute0_lowered;
	s3 =	sadd.s32 s1, s3;
	[dreg:$0x0] =	wrdreg $0x0  }
0xa5: {  	s4 =	sshll.u32 s23, $0x1;
	[dreg:$0x2] =	wrdreg s3  }
0xa6: {  	[dreg:$0x3] =	wrdreg s4  }
0xa7: {  	[dreg:$0x4] =	wrdreg $0xC0  }
0xa8: {  	s24 =	simm.s32 $execute1_lowered;
	_ =	task [dreg:s18], $0x5FFFF  }
0xa9: {  	s3 =	sshll.u32 s24, $0x1;
	[dreg:$0x1] =	wrdreg $0xFFFFFFFF  }
0xaa: {  	s1 =	sadd.s32 s1, s3;
	[dreg:$0x0] =	wrdreg $0x60  }
0xab: {  	[dreg:$0x2] =	wrdreg s1  }
0xac: {  	[dreg:$0x3] =	wrdreg s20  }
0xad: {  	[dreg:$0x4] =	wrdreg $0xB  }
0xae: {  	_ =	task.clear_ibuf [dreg:s18], $0x5FFFF;
	_ =	strace $0x90000046  }
0xaf: {  	s25 =	simm.s32 $0xB;
	_ =	strace $0x80000048  }
0xb0: {  	_ =	swait.ge [sflag:s25], $0x1  }
0xb1: {  	[sflag:s25] =	ssyncadd.s32 $0xFFFFFFFF  }
0xb2: {  	_ =	strace $0x90000048  }
0xb3: {  	_ =	strace $0x80000049;
	[dreg:$0x1] =	wrdreg $0xFFFFFFFF  }
0xb4: {  	[dreg:$0x0] =	wrdreg $0x2030  }
0xb5: {  	[dreg:$0x2] =	wrdreg s20  }
0xb6: {  	[dreg:$0x3] =	wrdreg $0xC  }
0xb7: {  	_ =	task.clear_ibuf [dreg:s18], $0x4FFFF;
	_ =	strace $0x90000049  }
0xb8: {  	s26 =	simm.s32 $0xC;
	_ =	strace $0x8000004B  }
0xb9: {  	_ =	swait.ge [sflag:s26], $0x1  }
0xba: {  	[sflag:s26] =	ssyncadd.s32 $0xFFFFFFFF  }
0xbb: {  	_ =	strace $0x9000004B  }
0xbc: {  	_ =	sfence  }
0xbd: {  	s28 =	sld [smem:$0x0];
	_ =	sdelay $0x1  }
0xbe: {  	s29 =	srdreg.scid  }
0xbf: {  	s30 =	sshll.u32 s29, $0xD;
	s31 =	sshrl.u32 s29, $0x2  }
0xc0: {  	s2 =	sand.u32 $0x1, s29;
	s3 =	sand.u32 $0x4000, s30;
	s1 =	sadd.s32 s31, s28  }
0xc1: {  	s2 =	sor.u32 s3, s2;
	s1 =	sshll.u32 s1, $0x11  }
0xc2: {  	s1 =	sor.u32 s1, s2  }
0xc3: {  	s1 =	sadd.s32 $0x8F2B, s1  }
0xc4: {  	[sflag:s1] =	ssyncadd.remote.s32 $0x1  }
0xc5: {  	_ =	sfence.sel $0xFFFF  }
0xc6: {  	[dreg:$0x0] =	wrdreg $0xFFFFFFFF;
	(pc) =	sbr.abs _section_cstart, $3  }
0xc7: {  	[dreg:$0x1] =	wrdreg $0xFFFFFFFF  }
0xc8: {  	_ =	task.clear_ibuf [dreg:s18], $0x2FFFF;
	_ =	strace $0x9FFFFFFF  }
0xc9: {  	(tm) =	ssettm $0x7FFFFFFF  }
tec
execute0_lowered:
.L_overlay_start_1:
0x0: {  	(tag) =	ssettag $0x1  }
0x1: {  	s2 =	rddreg [dreg:$0x0]  }
0x2: {  	s4 =	rddreg [dreg:$0x1]  }
0x3: {  	s0 =	rddreg [dreg:$0x2]  }
0x4: {  	s3 =	stileid.u32;
	[bflag:$0x3] =	sbarrier.arrive $0xFFFF;
	s1 =	simm.s32 $_size_execute1_lowered  }
0x5: {  	s8 =	simm.s32 $0x2;
	s9 =	simm.s32 $0x0;
	p0 =	sne.s32 s3, $0x0  }
0x6: {  	s1 =	sshll.u32 s1, $0x1;
	s5 =	simm.s32 @!p0 $0x1C3F;
	s6 =	simm.s32 @!p0 $0x4060  }
0x7: {  	[timem:s6], [sflag:s5] =	dma.local @!p0 [hbm:s2], s1  }
0x8: {  	s11 =	simm.s32 $0x0;
	s10 =	simm.s32 $0x0;
	s2 =	sshll.u32 s3, $0x9  }
0x9: {  	s3 =	sshll.u32 s3, $0x6;
	_ =	strace $0x80000047;
	s30 =	ssub.s32 $0x2000, s2  }
.Ltmp0:
0xa: {  	s31 =	sadd.s32 s3, s4;
	s7 =	sand.u32 $0x1E00, s30;
	(pc) =	sbr.rel .LBB2_1-.Ltmp0, $4  }
0xb: {  	s3 =	simm.s32 $0x1;
	p1 =	sne.s32 s7, $0x0;
	s7 =	simm.s32 $0x1  }
0xc: {  	s4 =	sadd.s32 $0x2C00, s4;
	s5 =	sshrl.u32 s30, $0xD;
	s7 =	simm.s32 @!p1 $0x0  }
0xd: {  	[sflag:s3] =	ssyncpa.u1 $0x0;
	s6 =	sadd.s32 $0x2800, s31;
	s5 =	sadd.s32 s7, s5  }
0xe: {  	[sflag:s8] =	ssyncpa.u1 $0x0;
	s8 =	simm.s32 $0x0;
	s7 =	sadd.s32 $0x1, s5  }
.LBB2_3:
0xf: {  	p2 =	sne.s32 s10, s7  }
.Ltmp1:
0x10: {  	p1 =	slt.u32 s10, $0x2;
	(pc) =	sbr.rel @!p2 .LBB2_4-.Ltmp1, $4  }
0x11: {  	s11 =	simm.s32 @!p1 $0x2  }
0x12: {  	_ =	swait.ge @!p1 [sflag:s11], $0x200  }
0x13: {  	s9 =	sadd.s32 $0x200, s9;
	[sflag:s11] =	ssyncset.done @!p1 $0x0  }
0x14: {  	s10 =	sadd.s32 $0x1, s10;
	[sflag:s11] =	ssyncadd.s32 @!p1 $0xFFFFFE00;
	s11 =	smov.u32 s2  }
.LBB2_1:
0x15: {  	p1 =	sge.u32 s10, s5  }
0x16: {  	s12 =	sxor.u32 @!p1 $0xFFFFFFFF, s9  }
0x17: {  	s31 =	sadd.s32 $0xFFFFFFFF, s10;
	s13 =	simm.s32 @!p1 $0x0;
	s12 =	sand.u32 @!p1 $0x200, s12  }
0x18: {  	[tilespmem:s12], [sflag:$0x1] =	stream.linear.gather @!p1 [hbm4b:s6+s13], $0x200, $0x38;
	[tilespmem:$0x800] =	vst v63  }
0x19: {  	p1 =	sge.u32 s31, s5  }
.Ltmp2:
0x1a: {  	_ = 	snop;
	(pc) =	sbr.rel @p1 .LBB2_3-.Ltmp2, $1  }
0x1b: {  	_ =	sdelay $0x3  }
0x1c: {  	_ =	swait.ge [sflag:s3], $0x200  }
0x1d: {  	[sflag:s3] =	ssyncset.done $0x0  }
0x1e: {  	s12 =	sand.u32 $0x200, s9;
	[sflag:s3] =	ssyncadd.s32 $0xFFFFFE00  }
0x1f: {  	v0 =	vld [tilespmem:s12+$0x0]  }
0x20: {  	v1 =	vld [tilespmem:s12+$0x10]  }
0x21: {  	v2 =	vld [tilespmem:s12+$0x20]  }
0x22: {  	v3 =	vld [tilespmem:s12+$0x30]  }
0x23: {  	v4 =	vld [tilespmem:s12+$0x40]  }
0x24: {  	v37 =	vld [tilespmem:s12+$0x50];
	[tilespmem:s12+$0x400] =	vst v0  }
0x25: {  	v38 =	vld [tilespmem:s12+$0x60];
	[tilespmem:s12+$0x410] =	vst v1  }
0x26: {  	v39 =	vld [tilespmem:s12+$0x70];
	[tilespmem:s12+$0x420] =	vst v2  }
0x27: {  	v40 =	vld [tilespmem:s12+$0x80];
	[tilespmem:s12+$0x430] =	vst v3  }
0x28: {  	v41 =	vld [tilespmem:s12+$0x90];
	[tilespmem:s12+$0x440] =	vst v4  }
0x29: {  	v42 =	vld [tilespmem:s12+$0xA0];
	[tilespmem:s12+$0x450] =	vst v37  }
0x2a: {  	v43 =	vld [tilespmem:s12+$0xB0];
	[tilespmem:s12+$0x460] =	vst v38  }
0x2b: {  	v44 =	vld [tilespmem:s12+$0xC0];
	[tilespmem:s12+$0x470] =	vst v39  }
0x2c: {  	v45 =	vld [tilespmem:s12+$0xD0];
	[tilespmem:s12+$0x480] =	vst v40  }
0x2d: {  	v46 =	vld [tilespmem:s12+$0xE0];
	[tilespmem:s12+$0x490] =	vst v41  }
0x2e: {  	v47 =	vld [tilespmem:s12+$0xF0];
	[tilespmem:s12+$0x4A0] =	vst v42  }
0x2f: {  	v48 =	vld [tilespmem:s12+$0x100];
	[tilespmem:s12+$0x4B0] =	vst v43  }
0x30: {  	v49 =	vld [tilespmem:s12+$0x110];
	[tilespmem:s12+$0x4C0] =	vst v44  }
0x31: {  	v50 =	vld [tilespmem:s12+$0x120];
	[tilespmem:s12+$0x4D0] =	vst v45  }
0x32: {  	v51 =	vld [tilespmem:s12+$0x130];
	[tilespmem:s12+$0x4E0] =	vst v46  }
0x33: {  	v52 =	vld [tilespmem:s12+$0x140];
	[tilespmem:s12+$0x4F0] =	vst v47  }
0x34: {  	v53 =	vld [tilespmem:s12+$0x150];
	[tilespmem:s12+$0x500] =	vst v48  }
0x35: {  	v54 =	vld [tilespmem:s12+$0x160];
	[tilespmem:s12+$0x510] =	vst v49  }
0x36: {  	v55 =	vld [tilespmem:s12+$0x170];
	[tilespmem:s12+$0x520] =	vst v50  }
0x37: {  	v56 =	vld [tilespmem:s12+$0x180];
	[tilespmem:s12+$0x530] =	vst v51  }
0x38: {  	v57 =	vld [tilespmem:s12+$0x190];
	[tilespmem:s12+$0x540] =	vst v52  }
0x39: {  	v58 =	vld [tilespmem:s12+$0x1A0];
	[tilespmem:s12+$0x550] =	vst v53  }
0x3a: {  	v59 =	vld [tilespmem:s12+$0x1B0];
	[tilespmem:s12+$0x560] =	vst v54  }
0x3b: {  	v60 =	vld [tilespmem:s12+$0x1C0];
	[tilespmem:s12+$0x570] =	vst v55  }
0x3c: {  	v61 =	vld [tilespmem:s12+$0x1D0];
	[tilespmem:s12+$0x580] =	vst v56  }
0x3d: {  	v62 =	vld [tilespmem:s12+$0x1E0];
	[tilespmem:s12+$0x590] =	vst v57  }
0x3e: {  	v63 =	vld [tilespmem:s12+$0x1F0];
	[tilespmem:s12+$0x5A0] =	vst v58  }
0x3f: {  	[tilespmem:s12+$0x5B0] =	vst v59  }
.Ltmp3:
0x40: {  	[tilespmem:s12+$0x5C0] =	vst v60;
	(pc) =	sbr.rel .LBB2_3-.Ltmp3, $4  }
0x41: {  	[tilespmem:s12+$0x5D0] =	vst v61  }
0x42: {  	s11 =	sshrl.u32 s11, $0x3;
	[tilespmem:s12+$0x5E0] =	vst v62  }
0x43: {  	s13 =	sor.u32 $0x400, s12;
	s11 =	sadd.s32 s4, s11;
	[tilespmem:s12+$0x5F0] =	vst v63  }
0x44: {  	[hbm4b:s11+s8] =	stream.linear.scatter [tilespmem:s13], [sflag:$0x2], $0x200, $0x38;
	[tilespmem:$0x800] =	vst v63  }
.LBB2_4:
0x45: {  	_ =	sfence.sel $0x180000  }
0x46: {  	s2 =	simm.s32 $0x1;
	[bflag:$0x0] =	sbarrier.arrive $0xFFFF  }
0x47: {  	s31 =	simm.s32 $0x2;
	[sflag:s2] =	ssyncpa.u1 $0x1  }
0x48: {  	[sflag:s31] =	ssyncpa.u1 $0x1  }
0x49: {  	_ =	strace $0x90000047  }
0x4a: {  	s0 =	sadd.s32 @!p0 $0x100000, s0;
	[bflag:$0x2] =	sbarrier.arrive $0xFFFF  }
0x4b: {  	[sflag:s0] =	ssyncadd.tile.s32 @!p0 $0x1;
	s0 =	simm.s32 @!p0 $0x3F  }
0x4c: {  	_ =	swait.ge @!p0 [sflag:s0], s1  }
0x4d: {  	s1 =	ssub.s32 @!p0 $0x0, s1;
	[sflag:s0] =	ssyncset.done @!p0 $0x0  }
0x4e: {  	[sflag:s0] =	ssyncadd.s32 @!p0 s1  }
0x4f: {  	[bflag:$0x3] =	sbarrier.arrive $0xFFFF  }
0x50: {  	_ =	shalt  }
.Lfunc_end2:
execute1_lowered:
.L_overlay_start_2:
0x51: {  	(tag) =	ssettag $0x2  }
0x52: {  	s0 =	rddreg [dreg:$0x0];
	_ =	strace $0x8000004A;
	s3 =	simm.s32 $0x1  }
0x53: {  	v1 =	vimm.s32 $0xFFFFFFFF;
	[sflag:s3] =	ssyncpa.u1 $0x0  }
0x54: {  	[tilespmem:$0x10] =	vst v1  }
0x55: {  	v0 =	vimm.f32 $0.0e+00;
	[tilespmem:$0x20] =	vst v1  }
0x56: {  	[tilespmem:$0x30] =	vst v0  }
0x57: {  	s2 =	simm.s32 $0x2;
	s6 =	simm.s32 $0x7;
	s26 =	stileid.u32;
	[tilespmem:$0x40] =	vst v0  }
0x58: {  	s7 =	simm.s32 $0x8;
	s31 =	simm.s32 $0x9;
	s14 =	simm.s32 $0x0;
	[tilespmem:$0x50] =	vst v0  }
0x59: {  	s15 =	simm.s32 $0x100;
	s18 =	simm.s32 $0x10;
	s19 =	simm.s32 $0x2500;
	[tilespmem:$0x60] =	vst v1  }
0x5a: {  	s20 =	simm.s32 $0xF;
	s21 =	simm.s32 $0x50;
	s22 =	simm.s32 $0x10FF;
	[tilespmem:$0x70] =	vst v1  }
0x5b: {  	s23 =	simm.s32 $0x20;
	s24 =	simm.s32 $0x30;
	s25 =	simm.s32 $0x20FF;
	[tilespmem:$0x80] =	vst v1  }
0x5c: {  	s30 =	simm.s32 $0x0;
	s29 =	simm.s32 $0x0;
	s1 =	sadd.s32 $0x2C00, s0;
	v1 =	vimm.s32 $0x0;
	[tilespmem:$0xB0] =	vst v0  }
.Ltmp4:
0x5d: {  	s4 =	sadd.s32 $0x1800, s0;
	s5 =	sadd.s32 $0x2000, s0;
	[tilespmem:$0x90] =	vst v1;
	(pc) =	sbr.rel .LBB3_1-.Ltmp4, $4  }
0x5e: {  	s8 =	sshll.u32 s26, $0xA;
	s10 =	sshll.u32 s26, $0x1;
	[tilespmem:$0xA0] =	vst v1;
	[sflag:s2] =	ssyncpa.u1 $0x0  }
0x5f: {  	s12 =	sshllo.u32 s26, $0x1;
	s26 =	simm.s32 $0x80;
	[sflag:s6] =	ssyncpa.u1 $0x0  }
0x60: {  	vm0 =	vmmov $0xffff;
	v2 =	vlaneseq.u32;
	s9 =	sadd.s32 $0x400, s8;
	s11 =	sor.u32 $0x81, s10;
	[sflag:s7] =	ssyncpa.u1 $0x0  }
0x61: {  	vm1 =	vmxor vm1, vm1;
	vm2 =	vmmov $0x1;
	vm3 =	vcmask $0x3F3C;
	s13 =	sor.u32 $0x80, s10;
	s28 =	smov.u32 s8;
	[sflag:s31] =	ssyncpa.u1 $0x0  }
.LBB3_3:
0x62: {  	s0 =	sshrl.u32 s28, $0x3  }
0x63: {  	s2 =	sand.u32 $0x7, s28;
	s0 =	sadd.s32 s4, s0  }
0x64: {  	[tilespmem:s15], [sflag:$0x7] =	stream.linear.gather [hbm4b:s0+s2], $0x400, $0x38;
	[tilespmem:$0x2520] =	vst v63  }
.LBB3_4:
0x65: {  	s0 =	sadd.s32 $0x400, s28  }
0x66: {  	s2 =	smov.u32 s8;
	s29 =	sadd.s32 $0x1, s29;
	p0 =	slt.s32 s0, s9  }
0x67: {  	s2 =	smov.u32 @p0 s0;
	p0 =	sne.s32 s29, $0x4  }
.Ltmp5:
0x68: {  	_ = 	snop;
	(pc) =	sbr.rel @!p0 .LBB3_13-.Ltmp5, $2  }
0x69: {  	_ =	sdelay $0x2  }
0x6a: {  	s30 =	smov.u32 s28;
	s28 =	smov.u32 s2  }
.LBB3_1:
0x6b: {  	p0 =	sgt.s32 s29, $0x1  }
.Ltmp6:
0x6c: {  	_ = 	snop;
	(pc) =	sbr.rel @p0 .LBB3_11-.Ltmp6, $1  }
0x6d: {  	_ =	sdelay $0x3  }
0x6e: {  	p0 =	seq.s32 s29, $0x0  }
.Ltmp7:
0x6f: {  	_ = 	snop;
	(pc) =	sbr.rel @p0 .LBB3_3-.Ltmp7, $1  }
0x70: {  	_ =	sdelay $0x3  }
0x71: {  	_ =	swait.ge [sflag:s6], $0x400  }
0x72: {  	[sflag:s6] =	ssyncset.done $0x0  }
0x73: {  	[sflag:s6] =	ssyncadd.s32 $0xFFFFFC00;
	(ifvalue) =	ssetifvalue $0xFFFFFFFF;
	v3 =	vld.msk [tilespmem:s15+$0x0 ss:$0x1], $0xffff;
	_ =	sdelay $0x4  }
0x74: {  	v4 =	vperm.xlane v3, v1  }
0x75: {  	vm4 =	vlt.u32 v3, $0x2000  }
0x76: {  	v3 =	vnsel vm4, $0xFFFFFFFE, v3;
	vm4 =	vlt.u32 v4, $0x2000  }
0x77: {  	[tilespmem:$0x70] =	vst v3;
	v3 =	vnsel vm4, $0xFFFFFFFE, v4  }
0x78: {  	s17 =	simm.s32 $0x4F0;
	[tilespmem:$0x80] =	vst v3  }
0x79: {  	v3 =	vld.msk [tilespmem:s17+$0x0 ss:$0x1], $0xffff;
	_ =	sdelay $0x4  }
0x7a: {  	(xrf1) =	vunique.msk.u32 $0xffff, v3;
	_ =	sdelay $0xd  }
0x7b: {  	v4 =	vimm.s32 $0xFFFFFFFF;
	v5, _, _ =	vpop (xrf1)  }
0x7c: {  	vm5 =	vne.s32 v3, v4;
	vm4 =	veq.s32 v5, v2  }
0x7d: {  	vm6 =	vlt.u32 v3, $0x2000;
	vm4 =	vmand vm5, vm4  }
0x7e: {  	vm4 =	vmand vm6, vm4  }
0x7f: {  	v4 =	vnsel vm4, $0xFFFFFFFF, v3;
	_ =	sdelay $0x3  }
0x80: {  	s0 =	simm.s32 $0x10F0;
	(ifvalue) =	ssetifvalue $0xFFFFFFFF  }
0x81: {  	v3 =	vperm.xlane v3, v1;
	[tilespmem:s0], [sflag:$0x8] =	stream.indirect_vreg.gather [hbm4b:s1+s14], $0x1, v4, vm0, $0x4038;
	v4 =	vnsel vm6, $0xFFFFFFFE, v4;
	[tilespmem:$0x2520] =	vst v63  }
0x82: {  	s2 =	simm.s32 $0x0;
	s16 =	simm.s32 $0x4E0;
	[tilespmem:s17+$0x0] =	vst v4  }
.LBB3_6:
0x83: {  	v4 =	vld.msk [tilespmem:s16+$0x0 ss:$0x1], $0xffff;
	s2 =	sadd.s32 $0x10, s2;
	v5 =	vmov v3;
	s17 =	smov.u32 s16  }
0x84: {  	p0 =	slt.u32 s2, $0x3F0;
	_ =	sdelay $0x4  }
0x85: {  	v3 =	vperm.xlane v4, v1;
	(xrf1) =	vunique.msk.u32 $0xffff, v4;
	_ =	sdelay $0xd  }
0x86: {  	v6, _, _ =	vpop (xrf1)  }
0x87: {  	vm5 =	vne.s32 v4, v5;
	vm4 =	veq.s32 v6, v2  }
0x88: {  	vm6 =	vlt.u32 v4, $0x2000;
	vm4 =	vmand vm5, vm4  }
0x89: {  	vm4 =	vmand vm6, vm4  }
0x8a: {  	v4 =	vnsel vm4, $0xFFFFFFFF, v4  }
.Ltmp8:
0x8b: {  	v5 =	vnsel vm6, $0xFFFFFFFE, v4;
	(pc) =	sbr.rel @p0 .LBB3_6-.Ltmp8, $3  }
0x8c: {  	_ =	sdelay $0x1  }
0x8d: {  	s16 =	sadd.s32 $0xFFFFFFF0, s16;
	s0 =	sadd.s32 $0xFFFFFFF0, s0;
	(ifvalue) =	ssetifvalue $0xFFFFFFFF  }
0x8e: {  	[tilespmem:s0], [sflag:$0x8] =	stream.indirect_vreg.gather [hbm4b:s1+s14], $0x1, v4, vm0, $0x4038;
	[tilespmem:s17+$0x0] =	vst v5  }
.Ltmp9:
0x8f: {  	(pc) =	sbr.rel .LBB3_4-.Ltmp9, $4  }
0x90: {  	_ = 	snop  }
0x91: {  	s0 =	sshrl.u32 s30, $0x3  }
0x92: {  	s2 =	simm.s32 $0x1500;
	s0 =	sadd.s32 s5, s0  }
0x93: {  	[tilespmem:s2], [sflag:$0x8] =	stream.linear.gather [hbm:s0], $0x400, $0x38;
	[tilespmem:$0x2520] =	vst v63  }
.LBB3_11:
0x94: {  	p0 =	seq.s32 s29, $0x2  }
.Ltmp10:
0x95: {  	_ = 	snop;
	(pc) =	sbr.rel @!p0 .LBB3_12-.Ltmp10, $1  }
0x96: {  	_ =	sdelay $0x3  }
0x97: {  	_ =	swait.ge [sflag:s7], $0x800  }
0x98: {  	[sflag:s7] =	ssyncset.done $0x0  }
0x99: {  	s0 =	simm.s32 $0x4FF;
	[sflag:s7] =	ssyncadd.s32 $0xFFFFF800  }
0x9a: {  	[spmem:s11] =	stream.linear.scatter [tilespmem:s0], [sflag:$0x1], $0x1, $0x38;
	[tilespmem:$0x2520] =	vst v63  }
0x9b: {  	_ =	swait.ge [sflag:s3], $0x1  }
0x9c: {  	[sflag:s3] =	ssyncset.done $0x0  }
0x9d: {  	[sflag:s3] =	ssyncadd.s32 $0xFFFFFFFF  }
0x9e: {  	v4 =	vld [tilespmem:$0x10]  }
0x9f: {  	v5 =	vld [tilespmem:$0x70]  }
0xa0: {  	v3 =	vld [tilespmem:$0x80];
	_ =	sdelay $0x2  }
0xa1: {  	(v2sf) =	vpush v4, $0x0  }
0xa2: {  	(v2sf) =	vpush v5, $0x0  }
0xa3: {  	(v2sf) =	vpush v3, $0x0;
	_ =	sdelay $0xc  }
0xa4: {  	s16 =	spop (v2sf)  }
0xa5: {  	s2 =	spop (v2sf)  }
0xa6: {  	s30 =	spop (v2sf)  }
0xa7: {  	p0 =	seq.s32 s16, s2;
	p1 =	seq.s32 s30, s16  }
0xa8: {  	p1 =	por p0, p1  }
0xa9: {  	v4 =	vpsel p1, $0xFFFFFFFF, v4  }
0xaa: {  	[tilespmem:s18+$0x0] =	vst.msk $0x1, v4  }
0xab: {  	v4 =	vld [tilespmem:$0x30]  }
0xac: {  	v5 =	vld [tilespmem:$0x1500]  }
0xad: {  	v6 =	vld [tilespmem:$0x40];
	_ =	sdelay $0x3  }
0xae: {  	vm4 =	vmmov vm1;
	v5 =	vadd.f32 v5, v4  }
0xaf: {  	vm5 =	vmmov vm2;
	s31 =	simm.s32 $0x1500;
	vm4 =	vmmov @p0 vm2;
	v4 =	vadd.f32 v6, v4  }
0xb0: {  	vm5 =	vmmov @p1 vm1;
	[tilespmem:s31+$0x0] =	vst.msk vm4, v5  }
0xb1: {  	[tilespmem:s19+$0x0] =	vst.msk vm5, v4  }
0xb2: {  	v4 =	vld [tilespmem:$0x10F0];
	_ =	sdelay $0x3  }
0xb3: {  	v5 =	vimm.f32 $0.0e+00  }
0xb4: {  	v4 =	vshift.insert v4, v5, s20;
	_ =	sdelay $0x1  }
0xb5: {  	[tilespmem:s21+$0x0] =	vst.msk $0x1, v4  }
0xb6: {  	[tilespmem:s22+$0x0] =	vst.msk $0x1, v5  }
0xb7: {  	v4 =	vld [tilespmem:$0x4F0];
	_ =	sdelay $0x4  }
0xb8: {  	v4 =	vshift.insert v4, v1, s20;
	_ =	sdelay $0x1  }
0xb9: {  	[tilespmem:s23+$0x0] =	vst.msk $0x1, v4  }
0xba: {  	s17 =	simm.s32 $0x100;
	v6 =	vld [tilespmem:s31+$0x0]  }
0xbb: {  	v7 =	vld [tilespmem:s17+$0x0];
	_ =	sdelay $0x3  }
0xbc: {  	v5 =	vadd.f32 v6, v5  }
0xbd: {  	vm4 =	vne.s32 v7, $0xFFFFFFFF  }
0xbe: {  	(xrf2) =	vadd.seg.scan.f32 vm4, v5;
	_ =	sdelay $0x3  }
0xbf: {  	s0 =	simm.s32 $0xD00;
	v5 =	vperm.xlane v4, v1  }
0xc0: {  	v6 =	vld [tilespmem:s0+$0x0]  }
0xc1: {  	vm5 =	veq.s32 v7, v3;
	vm6 =	veq.s32 v7, v5  }
0xc2: {  	vm7 =	vgt.u32 v7, $0xFFFFFFFD;
	vm6 =	vmor vm6, vm5  }
0xc3: {  	vm6 =	vmor vm6, vm7  }
0xc4: {  	v9 =	vld [tilespmem:$0xA0];
	v7 =	vsel vm6, $0xFFFFFFFF, v7  }
0xc5: {  	v10 =	vld [tilespmem:$0x90];
	v6 =	vsel vm5, $0x0, v6;
	v8, _, _ =	vpop (xrf2)  }
0xc6: {  	v6 =	vadd.f32 v8, v6  }
0xc7: {  	s2 =	simm.s32 $0x1D00  }
0xc8: {  	vm4 =	vmand vm4, vm3;
	[tilespmem:s2+$0x0] =	vst v6;
	(ifvalue) =	ssetifvalue $0xFFFFFFFF  }
0xc9: {  	vm6 =	veq.s32 v9, $0x1;
	[hbm4b:s1+s14] =	stream.indirect_vreg.scatter [tilespmem:s2], [sflag:$0x2], $0x1, v7, vm0, $0x4038;
	v7 =	vsel vm4, $0x0, v8;
	[tilespmem:$0x2520] =	vst v63  }
0xca: {  	s16 =	simm.s32 $0x0;
	s17 =	simm.s32 $0x110;
	vm4 =	vmor vm6, vm5;
	v6 =	vsel vm5, v8, v10;
	v7 =	vshift.insert v7, v0, s20  }
.LBB3_9:
0xcb: {  	v8 =	vld [tilespmem:s17+$0x0];
	s31 =	sadd.s32 $0x10, s31  }
0xcc: {  	s0 =	sadd.s32 $0x10, s0;
	v9 =	vld [tilespmem:s31+$0x0]  }
0xcd: {  	s16 =	sadd.s32 $0x10, s16;
	v10 =	vld [tilespmem:s0+$0x0]  }
0xce: {  	p0 =	slt.u32 s16, $0x3F0;
	_ =	sdelay $0x2  }
0xcf: {  	v7 =	vadd.f32 v9, v7  }
0xd0: {  	vm5 =	vne.s32 v8, $0xFFFFFFFF  }
0xd1: {  	vm6 =	vmand vm5, vm3;
	(xrf2) =	vadd.seg.scan.f32 vm5, v7;
	_ =	sdelay $0x5  }
0xd2: {  	vm7 =	veq.s32 v8, v5;
	vm5 =	veq.s32 v8, v3  }
0xd3: {  	vm8 =	vgt.u32 v8, $0xFFFFFFFD;
	vm4 =	vmor vm4, vm5;
	vm7 =	vmor vm7, vm5  }
0xd4: {  	vm7 =	vmor vm7, vm8  }
0xd5: {  	v8 =	vsel vm7, $0xFFFFFFFF, v8  }
.Ltmp11:
0xd6: {  	v7 =	vsel vm5, $0x0, v10;
	v9, _, _ =	vpop (xrf2);
	(pc) =	sbr.rel @p0 .LBB3_9-.Ltmp11, $4  }
0xd7: {  	v6 =	vsel vm5, v9, v6;
	v10 =	vadd.f32 v9, v7;
	v7 =	vsel vm6, $0x0, v9  }
0xd8: {  	s2 =	sadd.s32 $0x10, s2;
	v7 =	vshift.insert v7, v0, s20  }
0xd9: {  	s17 =	sadd.s32 $0x10, s17;
	[tilespmem:s2+$0x0] =	vst v10;
	(ifvalue) =	ssetifvalue $0xFFFFFFFF  }
0xda: {  	[hbm4b:s1+s14] =	stream.indirect_vreg.scatter [tilespmem:s2], [sflag:$0x2], $0x1, v8, vm0, $0x4038;
	[tilespmem:$0x2520] =	vst v63  }
0xdb: {  	v3 =	vld [tilespmem:$0x20F0];
	_ =	sdelay $0x4  }
0xdc: {  	v3 =	vshift.insert v3, v0, s20;
	_ =	sdelay $0x1  }
0xdd: {  	[tilespmem:s24+$0x0] =	vst.msk $0x1, v3  }
0xde: {  	v3 =	vsel vm4, $0x1, v1;
	[tilespmem:$0x90] =	vst v6  }
0xdf: {  	[tilespmem:$0xA0] =	vst v3  }
0xe0: {  	[spmem:s12] =	stream.linear.scatter [tilespmem:s25], [sflag:$0x1], $0x1, $0x38;
	[tilespmem:$0x2520] =	vst v63  }
0xe1: {  	v3 =	vmctz.xlane vm4;
	_ =	swait.ge [sflag:s3], $0x1  }
0xe2: {  	(v2sf) =	vpush v4, $0x0  }
0xe3: {  	(v2sf) =	vpush v3, $0x0;
	_ =	sdelay $0xd  }
0xe4: {  	s0 =	spop (v2sf)  }
0xe5: {  	s2 =	spop (v2sf)  }
0xe6: {  	[sflag:s3] =	ssyncset.done $0x0;
	p0 =	sne.s32 s30, s0;
	p1 =	slt.s32 s2, $0xF  }
0xe7: {  	[sflag:s3] =	ssyncadd.s32 $0xFFFFFFFF;
	v3 =	vimm.s32 @!p0 $0xFFFFFFFF;
	s2 =	simm.s32 @!p1 $0xF  }
0xe8: {  	[tilespmem:$0x80] =	vst @!p0 v3;
	s31 =	sadd.s32 $0x90, s2  }
0xe9: {  	[spmem:s10] =	stream.linear.scatter [tilespmem:s31], [sflag:$0x1], $0x1, $0x38;
	[tilespmem:$0x2520] =	vst v63  }
0xea: {  	_ =	swait.ge [sflag:s3], $0x1  }
0xeb: {  	[sflag:s3] =	ssyncset.done $0x0  }
0xec: {  	[sflag:s3] =	ssyncadd.s32 $0xFFFFFFFF  }
0xed: {  	[spmem:s13] =	stream.linear.scatter [tilespmem:s26], [sflag:$0x1], $0x1, $0x38;
	[tilespmem:$0x2520] =	vst v63  }
0xee: {  	_ =	swait.ge [sflag:s3], $0x1  }
0xef: {  	[sflag:s3] =	ssyncset.done $0x0  }
0xf0: {  	[sflag:s3] =	ssyncadd.s32 $0xFFFFFFFF;
	(ifvalue) =	ssetifvalue $0xFFFFFFFF;
	v3 =	vld [tilespmem:$0x10];
	_ =	sdelay $0x3  }
.Ltmp12:
0xf1: {  	_ = 	snop;
	(pc) =	sbr.rel .LBB3_4-.Ltmp12, $3  }
0xf2: {  	_ =	sdelay $0x1  }
0xf3: {  	(ifvalue) =	ssetifvalue $0xFFFFFFFF  }
0xf4: {  	[hbm4b:s1+s14] =	stream.indirect_vreg.scatter [tilespmem:s19], [sflag:$0x9], $0x1, v3, vm0, $0x4038;
	[tilespmem:$0x2520] =	vst v63  }
.LBB3_12:
0xf5: {  	s0 =	simm.s32 $0x2  }
0xf6: {  	_ =	swait.ge [sflag:s0], $0x400  }
0xf7: {  	[sflag:s0] =	ssyncset.done $0x0  }
0xf8: {  	s31 =	simm.s32 $0x9;
	[sflag:s0] =	ssyncadd.s32 $0xFFFFFC00  }
0xf9: {  	_ =	swait.ge [sflag:s31], $0x10  }
0xfa: {  	[sflag:s31] =	ssyncset.done $0x0  }
0xfb: {  	[sflag:s31] =	ssyncadd.s32 $0xFFFFFFF0  }
.LBB3_13:
0xfc: {  	_ =	sfence.sel $0x180000  }
0xfd: {  	s0 =	simm.s32 $0x7;
	[bflag:$0x0] =	sbarrier.arrive $0xFFFF  }
0xfe: {  	s26 =	simm.s32 $0x8;
	[sflag:s0] =	ssyncpa.u1 $0x1  }
0xff: {  	s28 =	simm.s32 $0x9;
	[sflag:s26] =	ssyncpa.u1 $0x1  }
0x100: {  	[sflag:s28] =	ssyncpa.u1 $0x1  }
0x101: {  	_ =	sfence.stream.spmem  }
0x102: {  	s29 =	simm.s32 $0x3;
	[bflag:$0x0] =	sbarrier.arrive $0xFFFF  }
0x103: {  	s30 =	simm.s32 $0x4;
	[sflag:s29] =	ssyncpa.u1 $0x1  }
0x104: {  	s31 =	simm.s32 $0x3C;
	s2 =	stileid.u32;
	[sflag:s30] =	ssyncpa.u1 $0x1  }
0x105: {  	p0 =	sne.s32 s2, $0x0;
	[sflag:s31] =	ssyncpa.u1 $0x1  }
0x106: {  	s0 =	simm.s32 @p0 $0x1;
	_ =	sfence @p0  }
0x107: {  	[sflag:s0] =	ssyncpa.u1 @p0 $0x1;
	s0 =	simm.s32 @p0 $0x2  }
0x108: {  	[sflag:s0] =	ssyncpa.u1 @p0 $0x1  }
0x109: {  	_ =	strace @p0 $0x9000004A  }
0x10a: {  	[bflag:$0x2] =	sbarrier.arrive @p0 $0xFFFF  }
0x10b: {  	_ =	shalt @p0  }
.LBB3_14:
0x10c: {  	_ =	sfence.stream.spmem;
	s0 =	simm.s32 $0x5  }
0x10d: {  	s2 =	simm.s32 $0x80;
	s3 =	simm.s32 $0xC0;
	[sflag:s0] =	ssyncpa.u1 $0x0  }
0x10e: {  	[tilespmem:s3], [sflag:$0x5] =	stream.linear.gather [spmem:s2], $0x20, $0x38;
	[tilespmem:$0x2520] =	vst v63  }
0x10f: {  	s2 =	simm.s32 $0x0;
	s3 =	simm.s32 $0xE0  }
0x110: {  	[tilespmem:s3], [sflag:$0x5] =	stream.linear.gather [spmem:s2], $0x20, $0x38;
	[tilespmem:$0x2520] =	vst v63  }
.Ltmp13:
0x111: {  	_ = 	snop;
	(pc) =	sbr.rel .LBB3_15-.Ltmp13, $4  }
0x112: {  	_ =	swait.ge [sflag:s0], $0x40  }
0x113: {  	[sflag:s0] =	ssyncset.done $0x0  }
0x114: {  	s31 =	simm.s32 $0x6;
	[sflag:s0] =	ssyncadd.s32 $0xFFFFFFC0  }
0x115: {  	s4 =	simm.s32 $0x0;
	[sflag:s31] =	ssyncpa.u1 $0x0  }
.LBB3_20:
0x116: {  	p0 =	sgt.u32 s0, $0x1FFF  }
0x117: {  	s5 =	sshrl.u32 @!p0 s0, $0x3  }
0x118: {  	s0 =	sand.u32 @!p0 $0x7, s0;
	s6 =	simm.s32 @!p0 $0xB0;
	s5 =	sadd.s32 @!p0 s1, s5  }
0x119: {  	[tilespmem:s6], [sflag:$0x6] =	stream.linear.gather @!p0 [hbm4b:s5+s0], $0x1, $0x38;
	[tilespmem:$0x2520] =	vst v63  }
0x11a: {  	s0 =	simm.s32 @!p0 $0x6  }
0x11b: {  	_ =	swait.ge @!p0 [sflag:s0], $0x1  }
0x11c: {  	[sflag:s0] =	ssyncset.done @!p0 $0x0  }
0x11d: {  	[sflag:s0] =	ssyncadd.s32 @!p0 $0xFFFFFFFF  }
0x11e: {  	v2 =	vmov @!p0 s4;
	v1 =	vld.msk @!p0 [tilespmem:$0xB0], $0x1;
	_ =	sdelay $0x3  }
0x11f: {  	s0 =	simm.s32 @!p0 $0xE0  }
0x120: {  	[tilespmem:v2+s0+$0x0], v1 =	vst.idx.ret.add.f32.msk @!p0 $0x1, v1  }
0x121: {  	[tilespmem:s2+$0xC0] =	vst.msk $0x1, v0  }
0x122: {  	v0 =	vld.msk [tilespmem:s4+$0xE0], $0x1;
	_ =	sdelay $0x4  }
0x123: {  	[tilespmem:s2+$0xE0] =	vst.msk $0x1, v0;
	s2 =	sadd.s32 $0x1, s2  }
.LBB3_22:
0x124: {  	s4 =	sadd.s32 $0x1, s4  }
0x125: {  	p0 =	sne.s32 s4, $0x20  }
.Ltmp14:
0x126: {  	_ = 	snop;
	(pc) =	sbr.rel @!p0 .LBB3_23-.Ltmp14, $1  }
0x127: {  	_ =	sdelay $0x3  }
.LBB3_15:
0x128: {  	v0 =	vld.msk [tilespmem:s4+$0xC0], $0x1;
	_ =	sdelay $0x4  }
0x129: {  	(v2sf) =	vpush v0, $0x0;
	_ =	sdelay $0xe  }
0x12a: {  	s0 =	spop (v2sf)  }
0x12b: {  	p0 =	seq.s32 s0, $0xFFFFFFFF  }
.Ltmp15:
0x12c: {  	_ = 	snop;
	(pc) =	sbr.rel @p0 .LBB3_22-.Ltmp15, $1  }
0x12d: {  	_ =	sdelay $0x3  }
0x12e: {  	p0 =	slt.s32 s2, $0x1  }
.Ltmp16:
0x12f: {  	_ = 	snop;
	(pc) =	sbr.rel @p0 .LBB3_20-.Ltmp16, $1  }
0x130: {  	_ =	sdelay $0x3  }
0x131: {  	s5 =	simm.s32 $0xC0;
	p0 =	por $0x0, $0x0  }
0x132: {  	v1 =	vld.msk @!p0 [tilespmem:s5+$0x0], $0x1;
	_ =	sdelay $0x4  }
0x133: {  	(v2sf) =	vpush @!p0 v1, $0x0;
	_ =	sdelay $0xd  }
0x134: {  	p2 =	sne.s32 s2, $0x1  }
.Ltmp17:
0x135: {  	s6 =	spop @!p0 (v2sf);
	(pc) =	sbr.rel @!p2 .LBB3_19-.Ltmp17, $4  }
0x136: {  	p1 =	seq.s32 @!p0 s0, s6  }
0x137: {  	s6 =	simm.s32 $0x0;
	p1 =	por !p1, p0  }
0x138: {  	s8 =	simm.s32 $0xFFFFFFFF;
	s6 =	simm.s32 @p1 $0xFFFFFFFF  }
0x139: {  	s7 =	simm.s32 $0x1;
	s6 =	smov.u32 @p0 s8  }
.LBB3_18:
0x13a: {  	s8 =	smov.u32 s6;
	p0 =	sne.s32 s6, $0xFFFFFFFF  }
0x13b: {  	s5 =	sadd.s32 $0x1, s5;
	s6 =	smov.u32 s7;
	s7 =	sadd.s32 $0x1, s7  }
0x13c: {  	p1 =	sne.s32 s2, s7;
	v1 =	vld.msk @!p0 [tilespmem:s5+$0x0], $0x1;
	_ =	sdelay $0x4  }
0x13d: {  	(v2sf) =	vpush @!p0 v1, $0x0;
	_ =	sdelay $0xe  }
.Ltmp18:
0x13e: {  	s9 =	spop @!p0 (v2sf);
	(pc) =	sbr.rel @p1 .LBB3_18-.Ltmp18, $4  }
0x13f: {  	p2 =	seq.s32 @!p0 s0, s9  }
0x140: {  	p2 =	por !p2, p0  }
0x141: {  	s6 =	simm.s32 @p2 $0xFFFFFFFF  }
0x142: {  	s6 =	smov.u32 @p0 s8  }
.LBB3_19:
0x143: {  	p0 =	sne.s32 s6, $0xFFFFFFFF  }
.Ltmp19:
0x144: {  	_ = 	snop;
	(pc) =	sbr.rel @!p0 .LBB3_20-.Ltmp19, $1  }
0x145: {  	_ =	sdelay $0x3  }
0x146: {  	v0 =	vld.msk [tilespmem:s4+$0xE0], $0x1;
	v1 =	vmov s6  }
.Ltmp20:
0x147: {  	_ = 	snop;
	(pc) =	sbr.rel .LBB3_22-.Ltmp20, $2  }
0x148: {  	_ =	sdelay $0x2  }
0x149: {  	[tilespmem:v1+s3+$0x0], v0 =	vst.idx.ret.add.f32.msk $0x1, v0  }
.LBB3_23:
0x14a: {  	p0 =	slt.s32 s2, $0x1  }
.Ltmp21:
0x14b: {  	_ = 	snop;
	(pc) =	sbr.rel @p0 .LBB3_27-.Ltmp21, $3  }
0x14c: {  	_ =	sdelay $0x1  }
0x14d: {  	s0 =	simm.s32 $0x6  }
0x14e: {  	[sflag:s0] =	ssyncpa.u1 $0x1;
	s0 =	simm.s32 $0x0  }
0x14f: {  	s3 =	simm.s32 $0xC0  }
0x150: {  	v0 =	vld.msk [tilespmem:s3+$0x0], $0x1;
	_ =	sdelay $0x4  }
0x151: {  	(v2sf) =	vpush v0, $0x0;
	_ =	sdelay $0xe  }
0x152: {  	s2 =	sadd.s32 $0xFFFFFFFF, s2;
	s4 =	spop (v2sf)  }
0x153: {  	p1 =	sne.s32 s2, $0x0;
	p0 =	sgt.u32 s4, $0x1FFF  }
.Ltmp22:
0x154: {  	s5 =	sshrl.u32 @!p0 s4, $0x3;
	(pc) =	sbr.rel @!p1 .LBB3_26-.Ltmp22, $4  }
0x155: {  	s3 =	simm.s32 $0xE0;
	s4 =	sand.u32 @!p0 $0x7, s4;
	s5 =	sadd.s32 @!p0 s1, s5  }
0x156: {  	[hbm4b:s5+s4] =	stream.linear.scatter @!p0 [tilespmem:s3], [sflag:$0x5], $0x1, $0x38;
	[tilespmem:$0x2520] =	vst v63  }
0x157: {  	s5 =	simm.s32 $0x0  }
0x158: {  	s4 =	simm.s32 $0xC1;
	s5 =	simm.s32 @!p0 $0x4  }
.LBB3_25:
0x159: {  	v0 =	vld.msk [tilespmem:s4+$0x0], $0x1;
	s2 =	sadd.s32 $0xFFFFFFFF, s2;
	s0 =	sadd.s32 s0, s5  }
0x15a: {  	p0 =	sne.s32 s2, $0x0;
	_ =	sdelay $0x3  }
0x15b: {  	(v2sf) =	vpush v0, $0x0;
	_ =	sdelay $0xe  }
.Ltmp23:
0x15c: {  	s6 =	spop (v2sf);
	(pc) =	sbr.rel @p0 .LBB3_25-.Ltmp23, $4  }
0x15d: {  	s5 =	simm.s32 $0x0;
	p1 =	sgt.u32 s6, $0x1FFF  }
0x15e: {  	s3 =	sadd.s32 $0x1, s3;
	s5 =	simm.s32 @!p1 $0x4;
	s7 =	sshrl.u32 @!p1 s6, $0x3  }
0x15f: {  	s4 =	sadd.s32 $0x1, s4;
	s6 =	sand.u32 @!p1 $0x7, s6;
	s7 =	sadd.s32 @!p1 s1, s7  }
0x160: {  	[hbm4b:s7+s6] =	stream.linear.scatter @!p1 [tilespmem:s3], [sflag:$0x5], $0x1, $0x38;
	[tilespmem:$0x2520] =	vst v63  }
.LBB3_26:
0x161: {  	s0 =	sadd.s32 s0, s5  }
0x162: {  	s0 =	sshrl.u32 s0, $0x2  }
.LBB3_27:
0x163: {  	s1 =	simm.s32 $0x5  }
0x164: {  	_ =	swait.ge [sflag:s1], s0  }
0x165: {  	s28 =	ssub.s32 $0x0, s0;
	[sflag:s1] =	ssyncset.done $0x0  }
0x166: {  	[sflag:s1] =	ssyncadd.s32 s28  }
0x167: {  	[sflag:s1] =	ssyncpa.u1 $0x1  }
0x168: {  	s29 =	simm.s32 $0x1;
	_ =	sfence  }
0x169: {  	s30 =	simm.s32 $0x2;
	[sflag:s29] =	ssyncpa.u1 $0x1  }
0x16a: {  	[sflag:s30] =	ssyncpa.u1 $0x1  }
0x16b: {  	_ =	strace $0x9000004A  }
0x16c: {  	[bflag:$0x2] =	sbarrier.arrive $0xFFFF  }
0x16d: {  	s31 =	rddreg [dreg:$0x1]  }
0x16e: {  	s0 =	sadd.s32 $0x100000, s31  }
0x16f: {  	[sflag:s0] =	ssyncadd.tile.s32 $0x1;
	_ =	shalt  }
.Lfunc_end3:
_tile_overlayer_lowered:
.L_overlay_start_3:
0x170: {  	(tag) =	ssettag $0x3  }
0x171: {  	s0 =	rddreg [dreg:$0x0];
	s2 =	stileid.u32  }
0x172: {  	s1 =	rddreg [dreg:$0x1];
	p0 =	sne.s32 s2, $0x0  }
0x173: {  	s3 =	rddreg [dreg:$0x2];
	[bflag:$0x3] =	sbarrier.arrive $0xFFFF;
	s2 =	simm.s32 @!p0 $0x1C01  }
0x174: {  	[timem:s3], [sflag:s2] =	dma.local @!p0 [hbm:s0], s1  }
0x175: {  	s0 =	simm.s32 @!p0 $0x1  }
0x176: {  	_ =	swait.ge @!p0 [sflag:s0], s1  }
0x177: {  	s1 =	ssub.s32 @!p0 $0x0, s1;
	[sflag:s0] =	ssyncset.done @!p0 $0x0  }
0x178: {  	[sflag:s0] =	ssyncadd.s32 @!p0 s1  }
0x179: {  	[bflag:$0x3] =	sbarrier.arrive $0xFFFF  }
0x17a: {  	_ =	shalt  }

</sc_bundles>
